<compile_context>
chip_gen: v7x
topology: tpu7x:2x2x1
jax: 0.10.2.dev20260603
libtpu: 0.0.44.dev20260713+nightly
codegen_flags: <defaults>
</compile_context>

<pallas_src>
import functools

import jax
import jax.numpy as jnp
from jax import lax
from jax.experimental import pallas as pl
from jax.experimental.pallas import tpu as pltpu
from jax.experimental.pallas import tpu_sc as plsc

VOCAB = 100000
D = 128
NC, NS = 2, 16
NW = NC * NS
L = 128
NBUF = 5


def _emb_kernel(n_steps: int):
    assert n_steps % NBUF == 0
    n_outer = n_steps // NBUF
    mesh = plsc.VectorSubcoreMesh(
        core_axis_name="c", subcore_axis_name="s", num_cores=NC, num_subcores=NS
    )
    b_total = NW * n_steps * L

    @functools.partial(
        pl.kernel,
        out_type=jax.ShapeDtypeStruct((b_total, D), jnp.float32),
        mesh=mesh,
        scratch_types=[
            pltpu.VMEM((n_steps, L), jnp.int32),
            pltpu.VMEM((NBUF, L, D), jnp.float32),
            pltpu.SemaphoreType.DMA((NBUF,)),
            pltpu.SemaphoreType.DMA((NBUF,)),
        ],
    )
    def body(tbl_hbm, idx_hbm, out_hbm, idx_v, rows_v, gsem, wsem):
        wid = lax.axis_index("s") * NC + lax.axis_index("c")
        base = wid * (n_steps * L)
        pltpu.sync_copy(idx_hbm.at[wid], idx_v)

        def gather(j, b):
            return pltpu.make_async_copy(
                tbl_hbm.at[idx_v.at[j]], rows_v.at[b], gsem.at[b]
            )

        def write(j, b):
            return pltpu.make_async_copy(
                rows_v.at[b], out_hbm.at[pl.ds(base + j * L, L)], wsem.at[b]
            )

        for b in range(NBUF):
            gather(b, b).start()

        def outer(jo, carry):
            j0 = jo * NBUF
            for b in range(NBUF):
                gather(j0 + b, b).wait()
                write(j0 + b, b).start()
            for b in range(NBUF):
                @pl.when(j0 + b + NBUF < n_steps)
                def _():
                    write(j0 + b, b).wait()
                    gather(j0 + b + NBUF, b).start()
            return carry

        lax.fori_loop(0, n_outer, outer, 0)

        for b in range(NBUF):
            write((n_outer - 1) * NBUF + b, b).wait()

    return body


def kernel(token_ids, weight):
    B, S = token_ids.shape
    total = B * S
    assert total % (NW * L) == 0
    n_steps = total // (NW * L)
    idx = token_ids.astype(jnp.int32).T.reshape(NW, n_steps, L)
    out = _emb_kernel(n_steps)(weight, idx)
    return out.reshape(S, B, D).transpose(1, 0, 2)

# --- scband reference (transcript-rebuilt; emitter-appended) ---
"""Pipeline reference for scband-embedding-75110388072590 (READ-ONLY COPY).

The authoritative reference and input builder live on the scoring server;
editing this copy changes nothing except your own understanding.
"""

import jax, jax.numpy as jnp
import numpy as np

VOCAB_SIZE = 100000
D_MODEL = 128

def setup_inputs(seed: int = 0) -> dict:
    key = jax.random.key(seed)
    k_idx, k_w = jax.random.split(key)
    token_ids = jax.random.randint(k_idx, (4096, 50), 0, VOCAB_SIZE, dtype=jnp.int64)
    std = 1.0
    # trunc_normal_(std=1.0, a=-3, b=3)
    weight = jax.random.truncated_normal(k_w, -3.0, 3.0, (VOCAB_SIZE, D_MODEL), dtype=jnp.float32) * std
    return {"token_ids": token_ids, "weight": weight}

def reference(token_ids, weight):
    # forward: self.weight[token_ids, :]
    return jnp.take(weight, token_ids, axis=0)

if __name__ == "__main__":
    import jax
    _d = setup_inputs()
    print(jax.jit(kernel)(*tuple(_d.values())))

</pallas_src>

<mosaic_0001>
#map = affine_map<(d0, d1) -> (0, 0)>
#map1 = affine_map<(d0, d1) -> (0, 0, 0)>
module attributes {stable_mosaic.version = 14 : i64} {
  func.func @body(%arg0: i32, %arg1: i32, %arg2: memref<100000x128xf32, #tpu.memory_space<hbm>>, %arg3: memref<32x50x128xi32, #tpu.memory_space<hbm>>, %arg4: memref<204800x128xf32, #tpu.memory_space<hbm>>, %arg5: memref<50x128xi32, #tpu.memory_space<vmem>>, %arg6: memref<5x128x128xf32, #tpu.memory_space<vmem>>, %arg7: memref<5x!tpu.dma_semaphore, #tpu.memory_space<semaphore_mem>>, %arg8: memref<5x!tpu.dma_semaphore, #tpu.memory_space<semaphore_mem>>) attributes {dimension_semantics = [#tpu.dimension_semantics<core_parallel>, #tpu.dimension_semantics<subcore_parallel>], iteration_bounds = array<i64: 2, 16>, scalar_prefetch = 0 : i64, scratch_operands = 4 : i64, tpu.core_type = #tpu.core_type<sc_vector_subcore>, window_params = [{transform_indices = #map}, {transform_indices = #map1}, {transform_indices = #map}]} {
    %mul3A = arith.constant 2 : i32
    %mul3A_0 = arith.muli %arg1, %mul3A : i32
    %add3A = arith.addi %mul3A_0, %arg0 : i32
    %mul3A_1 = arith.constant 6400 : i32
    %mul3A_2 = arith.muli %add3A, %mul3A_1 : i32
    "tpu.region"() ({
      %run_scoped3A = tpu.sem_alloc : memref<!tpu.dma_semaphore, #tpu.memory_space<semaphore_mem>>
      %dma_start3A_171 = arith.constant 0 : i32
      %dma_start3A_172 = arith.constant 0 : i32
      %dma_start3A_173 = tpu.memref_slice %arg3[%add3A, %dma_start3A_171, %dma_start3A_172] : memref<32x50x128xi32, #tpu.memory_space<hbm>> -> memref<1x50x128xi32, #tpu.memory_space<hbm>>
      %dma_start3A_174 = tpu.memref_squeeze %dma_start3A_173 : memref<1x50x128xi32, #tpu.memory_space<hbm>> -> memref<50x128xi32, #tpu.memory_space<hbm>>
      %dma_start3A_175 = arith.constant 0 : i32
      %dma_start3A_176 = arith.constant 0 : i32
      %dma_start3A_177 = tpu.memref_slice %arg3[%add3A, %dma_start3A_175, %dma_start3A_176] : memref<32x50x128xi32, #tpu.memory_space<hbm>> -> memref<1x50x128xi32, #tpu.memory_space<hbm>>
      %dma_start3A_178 = tpu.memref_squeeze %dma_start3A_177 : memref<1x50x128xi32, #tpu.memory_space<hbm>> -> memref<50x128xi32, #tpu.memory_space<hbm>>
      tpu.enqueue_dma source(%dma_start3A_178 : memref<50x128xi32, #tpu.memory_space<hbm>>) target(%arg5 : memref<50x128xi32, #tpu.memory_space<vmem>>) target_semaphore(%run_scoped3A : memref<!tpu.dma_semaphore, #tpu.memory_space<semaphore_mem>>)
      %dma_wait3A_179 = arith.constant 0 : i32
      %dma_wait3A_180 = arith.constant 0 : i32
      %dma_wait3A_181 = tpu.memref_slice %arg3[%add3A, %dma_wait3A_179, %dma_wait3A_180] : memref<32x50x128xi32, #tpu.memory_space<hbm>> -> memref<1x50x128xi32, #tpu.memory_space<hbm>>
      %dma_wait3A_182 = tpu.memref_squeeze %dma_wait3A_181 : memref<1x50x128xi32, #tpu.memory_space<hbm>> -> memref<50x128xi32, #tpu.memory_space<hbm>>
      %dma_wait3A_183 = arith.constant 0 : i32
      %dma_wait3A_184 = arith.constant 0 : i32
      %dma_wait3A_185 = tpu.memref_slice %arg3[%add3A, %dma_wait3A_183, %dma_wait3A_184] : memref<32x50x128xi32, #tpu.memory_space<hbm>> -> memref<1x50x128xi32, #tpu.memory_space<hbm>>
      %dma_wait3A_186 = tpu.memref_squeeze %dma_wait3A_185 : memref<1x50x128xi32, #tpu.memory_space<hbm>> -> memref<50x128xi32, #tpu.memory_space<hbm>>
      tpu.wait_dma2 semaphore(%run_scoped3A : memref<!tpu.dma_semaphore, #tpu.memory_space<semaphore_mem>>) src(%dma_wait3A_186 : memref<50x128xi32, #tpu.memory_space<hbm>>) dst(%arg5 : memref<50x128xi32, #tpu.memory_space<vmem>>)
      tpu.yield
    }) : () -> ()
    %dma_start3A = arith.constant 0 : i32
    %dma_start3A_3 = arith.constant 0 : i32
    %dma_start3A_4 = arith.constant 0 : i32
    %dma_start3A_5 = arith.constant 0 : i32
    %dma_start3A_6 = arith.constant 0 : i32
    %dma_start3A_7 = tpu.memref_slice %arg6[%dma_start3A_3, %dma_start3A_5, %dma_start3A_6] : memref<5x128x128xf32, #tpu.memory_space<vmem>> -> memref<1x128x128xf32, #tpu.memory_space<vmem>>
    %dma_start3A_8 = tpu.memref_squeeze %dma_start3A_7 : memref<1x128x128xf32, #tpu.memory_space<vmem>> -> memref<128x128xf32, #tpu.memory_space<vmem>>
    %dma_start3A_9 = arith.constant 0 : i32
    %dma_start3A_10 = tpu.memref_slice %arg5[%dma_start3A, %dma_start3A_9] : memref<50x128xi32, #tpu.memory_space<vmem>> -> memref<1x128xi32, #tpu.memory_space<vmem>>
    %dma_start3A_11 = tpu.memref_squeeze %dma_start3A_10 : memref<1x128xi32, #tpu.memory_space<vmem>> -> memref<128xi32, #tpu.memory_space<vmem>>
    %dma_start3A_12 = arith.constant 0 : i32
    %dma_start3A_13 = arith.constant 0 : i32
    %dma_start3A_14 = tpu.memref_slice %arg2[%dma_start3A_12, %dma_start3A_13] : memref<100000x128xf32, #tpu.memory_space<hbm>> -> memref<100000x128xf32, #tpu.memory_space<hbm>>
    %dma_start3A_15 = tpu.memref_slice %arg7[%dma_start3A_4] : memref<5x!tpu.dma_semaphore, #tpu.memory_space<semaphore_mem>> -> memref<1x!tpu.dma_semaphore, #tpu.memory_space<semaphore_mem>>
    %dma_start3A_16 = tpu.memref_squeeze %dma_start3A_15 : memref<1x!tpu.dma_semaphore, #tpu.memory_space<semaphore_mem>> -> memref<!tpu.dma_semaphore, #tpu.memory_space<semaphore_mem>>
    tpu.enqueue_indirect_dma source(%dma_start3A_14 : memref<100000x128xf32, #tpu.memory_space<hbm>>) target(%dma_start3A_8 : memref<128x128xf32, #tpu.memory_space<vmem>>) offsets(%dma_start3A_11 : memref<128xi32, #tpu.memory_space<vmem>>) semaphore(%dma_start3A_16 : memref<!tpu.dma_semaphore, #tpu.memory_space<semaphore_mem>>)
    %dma_start3A_17 = arith.constant 1 : i32
    %dma_start3A_18 = arith.constant 1 : i32
    %dma_start3A_19 = arith.constant 1 : i32
    %dma_start3A_20 = arith.constant 0 : i32
    %dma_start3A_21 = arith.constant 0 : i32
    %dma_start3A_22 = tpu.memref_slice %arg6[%dma_start3A_18, %dma_start3A_20, %dma_start3A_21] : memref<5x128x128xf32, #tpu.memory_space<vmem>> -> memref<1x128x128xf32, #tpu.memory_space<vmem>>
    %dma_start3A_23 = tpu.memref_squeeze %dma_start3A_22 : memref<1x128x128xf32, #tpu.memory_space<vmem>> -> memref<128x128xf32, #tpu.memory_space<vmem>>
    %dma_start3A_24 = arith.constant 0 : i32
    %dma_start3A_25 = tpu.memref_slice %arg5[%dma_start3A_17, %dma_start3A_24] : memref<50x128xi32, #tpu.memory_space<vmem>> -> memref<1x128xi32, #tpu.memory_space<vmem>>
    %dma_start3A_26 = tpu.memref_squeeze %dma_start3A_25 : memref<1x128xi32, #tpu.memory_space<vmem>> -> memref<128xi32, #tpu.memory_space<vmem>>
    %dma_start3A_27 = arith.constant 0 : i32
    %dma_start3A_28 = arith.constant 0 : i32
    %dma_start3A_29 = tpu.memref_slice %arg2[%dma_start3A_27, %dma_start3A_28] : memref<100000x128xf32, #tpu.memory_space<hbm>> -> memref<100000x128xf32, #tpu.memory_space<hbm>>
    %dma_start3A_30 = tpu.memref_slice %arg7[%dma_start3A_19] : memref<5x!tpu.dma_semaphore, #tpu.memory_space<semaphore_mem>> -> memref<1x!tpu.dma_semaphore, #tpu.memory_space<semaphore_mem>>
    %dma_start3A_31 = tpu.memref_squeeze %dma_start3A_30 : memref<1x!tpu.dma_semaphore, #tpu.memory_space<semaphore_mem>> -> memref<!tpu.dma_semaphore, #tpu.memory_space<semaphore_mem>>
    tpu.enqueue_indirect_dma source(%dma_start3A_29 : memref<100000x128xf32, #tpu.memory_space<hbm>>) target(%dma_start3A_23 : memref<128x128xf32, #tpu.memory_space<vmem>>) offsets(%dma_start3A_26 : memref<128xi32, #tpu.memory_space<vmem>>) semaphore(%dma_start3A_31 : memref<!tpu.dma_semaphore, #tpu.memory_space<semaphore_mem>>)
    %dma_start3A_32 = arith.constant 2 : i32
    %dma_start3A_33 = arith.constant 2 : i32
    %dma_start3A_34 = arith.constant 2 : i32
    %dma_start3A_35 = arith.constant 0 : i32
    %dma_start3A_36 = arith.constant 0 : i32
    %dma_start3A_37 = tpu.memref_slice %arg6[%dma_start3A_33, %dma_start3A_35, %dma_start3A_36] : memref<5x128x128xf32, #tpu.memory_space<vmem>> -> memref<1x128x128xf32, #tpu.memory_space<vmem>>
    %dma_start3A_38 = tpu.memref_squeeze %dma_start3A_37 : memref<1x128x128xf32, #tpu.memory_space<vmem>> -> memref<128x128xf32, #tpu.memory_space<vmem>>
    %dma_start3A_39 = arith.constant 0 : i32
    %dma_start3A_40 = tpu.memref_slice %arg5[%dma_start3A_32, %dma_start3A_39] : memref<50x128xi32, #tpu.memory_space<vmem>> -> memref<1x128xi32, #tpu.memory_space<vmem>>
    %dma_start3A_41 = tpu.memref_squeeze %dma_start3A_40 : memref<1x128xi32, #tpu.memory_space<vmem>> -> memref<128xi32, #tpu.memory_space<vmem>>
    %dma_start3A_42 = arith.constant 0 : i32
    %dma_start3A_43 = arith.constant 0 : i32
    %dma_start3A_44 = tpu.memref_slice %arg2[%dma_start3A_42, %dma_start3A_43] : memref<100000x128xf32, #tpu.memory_space<hbm>> -> memref<100000x128xf32, #tpu.memory_space<hbm>>
    %dma_start3A_45 = tpu.memref_slice %arg7[%dma_start3A_34] : memref<5x!tpu.dma_semaphore, #tpu.memory_space<semaphore_mem>> -> memref<1x!tpu.dma_semaphore, #tpu.memory_space<semaphore_mem>>
    %dma_start3A_46 = tpu.memref_squeeze %dma_start3A_45 : memref<1x!tpu.dma_semaphore, #tpu.memory_space<semaphore_mem>> -> memref<!tpu.dma_semaphore, #tpu.memory_space<semaphore_mem>>
    tpu.enqueue_indirect_dma source(%dma_start3A_44 : memref<100000x128xf32, #tpu.memory_space<hbm>>) target(%dma_start3A_38 : memref<128x128xf32, #tpu.memory_space<vmem>>) offsets(%dma_start3A_41 : memref<128xi32, #tpu.memory_space<vmem>>) semaphore(%dma_start3A_46 : memref<!tpu.dma_semaphore, #tpu.memory_space<semaphore_mem>>)
    %dma_start3A_47 = arith.constant 3 : i32
    %dma_start3A_48 = arith.constant 3 : i32
    %dma_start3A_49 = arith.constant 3 : i32
    %dma_start3A_50 = arith.constant 0 : i32
    %dma_start3A_51 = arith.constant 0 : i32
    %dma_start3A_52 = tpu.memref_slice %arg6[%dma_start3A_48, %dma_start3A_50, %dma_start3A_51] : memref<5x128x128xf32, #tpu.memory_space<vmem>> -> memref<1x128x128xf32, #tpu.memory_space<vmem>>
    %dma_start3A_53 = tpu.memref_squeeze %dma_start3A_52 : memref<1x128x128xf32, #tpu.memory_space<vmem>> -> memref<128x128xf32, #tpu.memory_space<vmem>>
    %dma_start3A_54 = arith.constant 0 : i32
    %dma_start3A_55 = tpu.memref_slice %arg5[%dma_start3A_47, %dma_start3A_54] : memref<50x128xi32, #tpu.memory_space<vmem>> -> memref<1x128xi32, #tpu.memory_space<vmem>>
    %dma_start3A_56 = tpu.memref_squeeze %dma_start3A_55 : memref<1x128xi32, #tpu.memory_space<vmem>> -> memref<128xi32, #tpu.memory_space<vmem>>
    %dma_start3A_57 = arith.constant 0 : i32
    %dma_start3A_58 = arith.constant 0 : i32
    %dma_start3A_59 = tpu.memref_slice %arg2[%dma_start3A_57, %dma_start3A_58] : memref<100000x128xf32, #tpu.memory_space<hbm>> -> memref<100000x128xf32, #tpu.memory_space<hbm>>
    %dma_start3A_60 = tpu.memref_slice %arg7[%dma_start3A_49] : memref<5x!tpu.dma_semaphore, #tpu.memory_space<semaphore_mem>> -> memref<1x!tpu.dma_semaphore, #tpu.memory_space<semaphore_mem>>
    %dma_start3A_61 = tpu.memref_squeeze %dma_start3A_60 : memref<1x!tpu.dma_semaphore, #tpu.memory_space<semaphore_mem>> -> memref<!tpu.dma_semaphore, #tpu.memory_space<semaphore_mem>>
    tpu.enqueue_indirect_dma source(%dma_start3A_59 : memref<100000x128xf32, #tpu.memory_space<hbm>>) target(%dma_start3A_53 : memref<128x128xf32, #tpu.memory_space<vmem>>) offsets(%dma_start3A_56 : memref<128xi32, #tpu.memory_space<vmem>>) semaphore(%dma_start3A_61 : memref<!tpu.dma_semaphore, #tpu.memory_space<semaphore_mem>>)
    %dma_start3A_62 = arith.constant 4 : i32
    %dma_start3A_63 = arith.constant 4 : i32
    %dma_start3A_64 = arith.constant 4 : i32
    %dma_start3A_65 = arith.constant 0 : i32
    %dma_start3A_66 = arith.constant 0 : i32
    %dma_start3A_67 = tpu.memref_slice %arg6[%dma_start3A_63, %dma_start3A_65, %dma_start3A_66] : memref<5x128x128xf32, #tpu.memory_space<vmem>> -> memref<1x128x128xf32, #tpu.memory_space<vmem>>
    %dma_start3A_68 = tpu.memref_squeeze %dma_start3A_67 : memref<1x128x128xf32, #tpu.memory_space<vmem>> -> memref<128x128xf32, #tpu.memory_space<vmem>>
    %dma_start3A_69 = arith.constant 0 : i32
    %dma_start3A_70 = tpu.memref_slice %arg5[%dma_start3A_62, %dma_start3A_69] : memref<50x128xi32, #tpu.memory_space<vmem>> -> memref<1x128xi32, #tpu.memory_space<vmem>>
    %dma_start3A_71 = tpu.memref_squeeze %dma_start3A_70 : memref<1x128xi32, #tpu.memory_space<vmem>> -> memref<128xi32, #tpu.memory_space<vmem>>
    %dma_start3A_72 = arith.constant 0 : i32
    %dma_start3A_73 = arith.constant 0 : i32
    %dma_start3A_74 = tpu.memref_slice %arg2[%dma_start3A_72, %dma_start3A_73] : memref<100000x128xf32, #tpu.memory_space<hbm>> -> memref<100000x128xf32, #tpu.memory_space<hbm>>
    %dma_start3A_75 = tpu.memref_slice %arg7[%dma_start3A_64] : memref<5x!tpu.dma_semaphore, #tpu.memory_space<semaphore_mem>> -> memref<1x!tpu.dma_semaphore, #tpu.memory_space<semaphore_mem>>
    %dma_start3A_76 = tpu.memref_squeeze %dma_start3A_75 : memref<1x!tpu.dma_semaphore, #tpu.memory_space<semaphore_mem>> -> memref<!tpu.dma_semaphore, #tpu.memory_space<semaphore_mem>>
    tpu.enqueue_indirect_dma source(%dma_start3A_74 : memref<100000x128xf32, #tpu.memory_space<hbm>>) target(%dma_start3A_68 : memref<128x128xf32, #tpu.memory_space<vmem>>) offsets(%dma_start3A_71 : memref<128xi32, #tpu.memory_space<vmem>>) semaphore(%dma_start3A_76 : memref<!tpu.dma_semaphore, #tpu.memory_space<semaphore_mem>>)
    %scan3A = arith.constant 0 : i32
    %scan3A_77 = arith.constant 0 : i32
    %scan3A_78 = arith.constant 10 : i32
    %scan3A_79 = arith.addi %scan3A_77, %scan3A_78 : i32
    %scan3A_80 = arith.constant 1 : i32
    scf.for %scan3A_171 = %scan3A_77 to %scan3A_79 step %scan3A_80  : i32 {
      %mul3A_172 = arith.constant 5 : i32
      %mul3A_173 = arith.muli %scan3A_171, %mul3A_172 : i32
      %add3A_174 = arith.constant 0 : i32
      %add3A_175 = arith.addi %mul3A_173, %add3A_174 : i32
      %dma_wait3A_176 = arith.constant 0 : i32
      %dma_wait3A_177 = arith.constant 0 : i32
      %dma_wait3A_178 = arith.constant 0 : i32
      %dma_wait3A_179 = arith.constant 0 : i32
      %dma_wait3A_180 = tpu.memref_slice %arg6[%dma_wait3A_176, %dma_wait3A_178, %dma_wait3A_179] : memref<5x128x128xf32, #tpu.memory_space<vmem>> -> memref<1x128x128xf32, #tpu.memory_space<vmem>>
      %dma_wait3A_181 = tpu.memref_squeeze %dma_wait3A_180 : memref<1x128x128xf32, #tpu.memory_space<vmem>> -> memref<128x128xf32, #tpu.memory_space<vmem>>
      %dma_wait3A_182 = arith.constant 0 : i32
      %dma_wait3A_183 = tpu.memref_slice %arg5[%add3A_175, %dma_wait3A_182] : memref<50x128xi32, #tpu.memory_space<vmem>> -> memref<1x128xi32, #tpu.memory_space<vmem>>
      %dma_wait3A_184 = tpu.memref_squeeze %dma_wait3A_183 : memref<1x128xi32, #tpu.memory_space<vmem>> -> memref<128xi32, #tpu.memory_space<vmem>>
      %dma_wait3A_185 = arith.constant 0 : i32
      %dma_wait3A_186 = arith.constant 0 : i32
      %dma_wait3A_187 = tpu.memref_slice %arg2[%dma_wait3A_185, %dma_wait3A_186] : memref<100000x128xf32, #tpu.memory_space<hbm>> -> memref<100000x128xf32, #tpu.memory_space<hbm>>
      %dma_wait3A_188 = tpu.memref_slice %arg7[%dma_wait3A_177] : memref<5x!tpu.dma_semaphore, #tpu.memory_space<semaphore_mem>> -> memref<1x!tpu.dma_semaphore, #tpu.memory_space<semaphore_mem>>
      %dma_wait3A_189 = tpu.memref_squeeze %dma_wait3A_188 : memref<1x!tpu.dma_semaphore, #tpu.memory_space<semaphore_mem>> -> memref<!tpu.dma_semaphore, #tpu.memory_space<semaphore_mem>>
      tpu.wait_indirect_dma semaphore(%dma_wait3A_189 : memref<!tpu.dma_semaphore, #tpu.memory_space<semaphore_mem>>) src(%dma_wait3A_187 : memref<100000x128xf32, #tpu.memory_space<hbm>>) dst(%dma_wait3A_181 : memref<128x128xf32, #tpu.memory_space<vmem>>)
      %add3A_190 = arith.constant 0 : i32
      %add3A_191 = arith.addi %mul3A_173, %add3A_190 : i32
      %mul3A_192 = arith.constant 128 : i32
      %mul3A_193 = arith.muli %add3A_191, %mul3A_192 : i32
      %add3A_194 = arith.addi %mul3A_2, %mul3A_193 : i32
      %dma_start3A_195 = arith.constant 0 : i32
      %dma_start3A_196 = arith.constant 0 : i32
      %dma_start3A_197 = arith.constant 0 : i32
      %dma_start3A_198 = arith.constant 0 : i32
      %dma_start3A_199 = tpu.memref_slice %arg6[%dma_start3A_195, %dma_start3A_197, %dma_start3A_198] : memref<5x128x128xf32, #tpu.memory_space<vmem>> -> memref<1x128x128xf32, #tpu.memory_space<vmem>>
      %dma_start3A_200 = tpu.memref_squeeze %dma_start3A_199 : memref<1x128x128xf32, #tpu.memory_space<vmem>> -> memref<128x128xf32, #tpu.memory_space<vmem>>
      %dma_start3A_201 = arith.constant 0 : i32
      %dma_start3A_202 = tpu.memref_slice %arg4[%add3A_194, %dma_start3A_201] : memref<204800x128xf32, #tpu.memory_space<hbm>> -> memref<128x128xf32, #tpu.memory_space<hbm>>
      %dma_start3A_203 = tpu.memref_slice %arg8[%dma_start3A_196] : memref<5x!tpu.dma_semaphore, #tpu.memory_space<semaphore_mem>> -> memref<1x!tpu.dma_semaphore, #tpu.memory_space<semaphore_mem>>
      %dma_start3A_204 = tpu.memref_squeeze %dma_start3A_203 : memref<1x!tpu.dma_semaphore, #tpu.memory_space<semaphore_mem>> -> memref<!tpu.dma_semaphore, #tpu.memory_space<semaphore_mem>>
      %dma_start3A_205 = arith.constant 0 : i32
      %dma_start3A_206 = tpu.memref_slice %arg4[%add3A_194, %dma_start3A_205] : memref<204800x128xf32, #tpu.memory_space<hbm>> -> memref<128x128xf32, #tpu.memory_space<hbm>>
      %dma_start3A_207 = arith.constant 0 : i32
      %dma_start3A_208 = arith.constant 0 : i32
      %dma_start3A_209 = tpu.memref_slice %arg6[%dma_start3A_195, %dma_start3A_207, %dma_start3A_208] : memref<5x128x128xf32, #tpu.memory_space<vmem>> -> memref<1x128x128xf32, #tpu.memory_space<vmem>>
      %dma_start3A_210 = tpu.memref_squeeze %dma_start3A_209 : memref<1x128x128xf32, #tpu.memory_space<vmem>> -> memref<128x128xf32, #tpu.memory_space<vmem>>
      tpu.enqueue_dma source(%dma_start3A_210 : memref<128x128xf32, #tpu.memory_space<vmem>>) target(%dma_start3A_206 : memref<128x128xf32, #tpu.memory_space<hbm>>) target_semaphore(%dma_start3A_204 : memref<!tpu.dma_semaphore, #tpu.memory_space<semaphore_mem>>)
      %add3A_211 = arith.constant 1 : i32
      %add3A_212 = arith.addi %mul3A_173, %add3A_211 : i32
      %dma_wait3A_213 = arith.constant 1 : i32
      %dma_wait3A_214 = arith.constant 1 : i32
      %dma_wait3A_215 = arith.constant 0 : i32
      %dma_wait3A_216 = arith.constant 0 : i32
      %dma_wait3A_217 = tpu.memref_slice %arg6[%dma_wait3A_213, %dma_wait3A_215, %dma_wait3A_216] : memref<5x128x128xf32, #tpu.memory_space<vmem>> -> memref<1x128x128xf32, #tpu.memory_space<vmem>>
      %dma_wait3A_218 = tpu.memref_squeeze %dma_wait3A_217 : memref<1x128x128xf32, #tpu.memory_space<vmem>> -> memref<128x128xf32, #tpu.memory_space<vmem>>
      %dma_wait3A_219 = arith.constant 0 : i32
      %dma_wait3A_220 = tpu.memref_slice %arg5[%add3A_212, %dma_wait3A_219] : memref<50x128xi32, #tpu.memory_space<vmem>> -> memref<1x128xi32, #tpu.memory_space<vmem>>
      %dma_wait3A_221 = tpu.memref_squeeze %dma_wait3A_220 : memref<1x128xi32, #tpu.memory_space<vmem>> -> memref<128xi32, #tpu.memory_space<vmem>>
      %dma_wait3A_222 = arith.constant 0 : i32
      %dma_wait3A_223 = arith.constant 0 : i32
      %dma_wait3A_224 = tpu.memref_slice %arg2[%dma_wait3A_222, %dma_wait3A_223] : memref<100000x128xf32, #tpu.memory_space<hbm>> -> memref<100000x128xf32, #tpu.memory_space<hbm>>
      %dma_wait3A_225 = tpu.memref_slice %arg7[%dma_wait3A_214] : memref<5x!tpu.dma_semaphore, #tpu.memory_space<semaphore_mem>> -> memref<1x!tpu.dma_semaphore, #tpu.memory_space<semaphore_mem>>
      %dma_wait3A_226 = tpu.memref_squeeze %dma_wait3A_225 : memref<1x!tpu.dma_semaphore, #tpu.memory_space<semaphore_mem>> -> memref<!tpu.dma_semaphore, #tpu.memory_space<semaphore_mem>>
      tpu.wait_indirect_dma semaphore(%dma_wait3A_226 : memref<!tpu.dma_semaphore, #tpu.memory_space<semaphore_mem>>) src(%dma_wait3A_224 : memref<100000x128xf32, #tpu.memory_space<hbm>>) dst(%dma_wait3A_218 : memref<128x128xf32, #tpu.memory_space<vmem>>)
      %add3A_227 = arith.constant 1 : i32
      %add3A_228 = arith.addi %mul3A_173, %add3A_227 : i32
      %mul3A_229 = arith.constant 128 : i32
      %mul3A_230 = arith.muli %add3A_228, %mul3A_229 : i32
      %add3A_231 = arith.addi %mul3A_2, %mul3A_230 : i32
      %dma_start3A_232 = arith.constant 1 : i32
      %dma_start3A_233 = arith.constant 1 : i32
      %dma_start3A_234 = arith.constant 0 : i32
      %dma_start3A_235 = arith.constant 0 : i32
      %dma_start3A_236 = tpu.memref_slice %arg6[%dma_start3A_232, %dma_start3A_234, %dma_start3A_235] : memref<5x128x128xf32, #tpu.memory_space<vmem>> -> memref<1x128x128xf32, #tpu.memory_space<vmem>>
      %dma_start3A_237 = tpu.memref_squeeze %dma_start3A_236 : memref<1x128x128xf32, #tpu.memory_space<vmem>> -> memref<128x128xf32, #tpu.memory_space<vmem>>
      %dma_start3A_238 = arith.constant 0 : i32
      %dma_start3A_239 = tpu.memref_slice %arg4[%add3A_231, %dma_start3A_238] : memref<204800x128xf32, #tpu.memory_space<hbm>> -> memref<128x128xf32, #tpu.memory_space<hbm>>
      %dma_start3A_240 = tpu.memref_slice %arg8[%dma_start3A_233] : memref<5x!tpu.dma_semaphore, #tpu.memory_space<semaphore_mem>> -> memref<1x!tpu.dma_semaphore, #tpu.memory_space<semaphore_mem>>
      %dma_start3A_241 = tpu.memref_squeeze %dma_start3A_240 : memref<1x!tpu.dma_semaphore, #tpu.memory_space<semaphore_mem>> -> memref<!tpu.dma_semaphore, #tpu.memory_space<semaphore_mem>>
      %dma_start3A_242 = arith.constant 0 : i32
      %dma_start3A_243 = tpu.memref_slice %arg4[%add3A_231, %dma_start3A_242] : memref<204800x128xf32, #tpu.memory_space<hbm>> -> memref<128x128xf32, #tpu.memory_space<hbm>>
      %dma_start3A_244 = arith.constant 0 : i32
      %dma_start3A_245 = arith.constant 0 : i32
      %dma_start3A_246 = tpu.memref_slice %arg6[%dma_start3A_232, %dma_start3A_244, %dma_start3A_245] : memref<5x128x128xf32, #tpu.memory_space<vmem>> -> memref<1x128x128xf32, #tpu.memory_space<vmem>>
      %dma_start3A_247 = tpu.memref_squeeze %dma_start3A_246 : memref<1x128x128xf32, #tpu.memory_space<vmem>> -> memref<128x128xf32, #tpu.memory_space<vmem>>
      tpu.enqueue_dma source(%dma_start3A_247 : memref<128x128xf32, #tpu.memory_space<vmem>>) target(%dma_start3A_243 : memref<128x128xf32, #tpu.memory_space<hbm>>) target_semaphore(%dma_start3A_241 : memref<!tpu.dma_semaphore, #tpu.memory_space<semaphore_mem>>)
      %add3A_248 = arith.constant 2 : i32
      %add3A_249 = arith.addi %mul3A_173, %add3A_248 : i32
      %dma_wait3A_250 = arith.constant 2 : i32
      %dma_wait3A_251 = arith.constant 2 : i32
      %dma_wait3A_252 = arith.constant 0 : i32
      %dma_wait3A_253 = arith.constant 0 : i32
      %dma_wait3A_254 = tpu.memref_slice %arg6[%dma_wait3A_250, %dma_wait3A_252, %dma_wait3A_253] : memref<5x128x128xf32, #tpu.memory_space<vmem>> -> memref<1x128x128xf32, #tpu.memory_space<vmem>>
      %dma_wait3A_255 = tpu.memref_squeeze %dma_wait3A_254 : memref<1x128x128xf32, #tpu.memory_space<vmem>> -> memref<128x128xf32, #tpu.memory_space<vmem>>
      %dma_wait3A_256 = arith.constant 0 : i32
      %dma_wait3A_257 = tpu.memref_slice %arg5[%add3A_249, %dma_wait3A_256] : memref<50x128xi32, #tpu.memory_space<vmem>> -> memref<1x128xi32, #tpu.memory_space<vmem>>
      %dma_wait3A_258 = tpu.memref_squeeze %dma_wait3A_257 : memref<1x128xi32, #tpu.memory_space<vmem>> -> memref<128xi32, #tpu.memory_space<vmem>>
      %dma_wait3A_259 = arith.constant 0 : i32
      %dma_wait3A_260 = arith.constant 0 : i32
      %dma_wait3A_261 = tpu.memref_slice %arg2[%dma_wait3A_259, %dma_wait3A_260] : memref<100000x128xf32, #tpu.memory_space<hbm>> -> memref<100000x128xf32, #tpu.memory_space<hbm>>
      %dma_wait3A_262 = tpu.memref_slice %arg7[%dma_wait3A_251] : memref<5x!tpu.dma_semaphore, #tpu.memory_space<semaphore_mem>> -> memref<1x!tpu.dma_semaphore, #tpu.memory_space<semaphore_mem>>
      %dma_wait3A_263 = tpu.memref_squeeze %dma_wait3A_262 : memref<1x!tpu.dma_semaphore, #tpu.memory_space<semaphore_mem>> -> memref<!tpu.dma_semaphore, #tpu.memory_space<semaphore_mem>>
      tpu.wait_indirect_dma semaphore(%dma_wait3A_263 : memref<!tpu.dma_semaphore, #tpu.memory_space<semaphore_mem>>) src(%dma_wait3A_261 : memref<100000x128xf32, #tpu.memory_space<hbm>>) dst(%dma_wait3A_255 : memref<128x128xf32, #tpu.memory_space<vmem>>)
      %add3A_264 = arith.constant 2 : i32
      %add3A_265 = arith.addi %mul3A_173, %add3A_264 : i32
      %mul3A_266 = arith.constant 128 : i32
      %mul3A_267 = arith.muli %add3A_265, %mul3A_266 : i32
      %add3A_268 = arith.addi %mul3A_2, %mul3A_267 : i32
      %dma_start3A_269 = arith.constant 2 : i32
      %dma_start3A_270 = arith.constant 2 : i32
      %dma_start3A_271 = arith.constant 0 : i32
      %dma_start3A_272 = arith.constant 0 : i32
      %dma_start3A_273 = tpu.memref_slice %arg6[%dma_start3A_269, %dma_start3A_271, %dma_start3A_272] : memref<5x128x128xf32, #tpu.memory_space<vmem>> -> memref<1x128x128xf32, #tpu.memory_space<vmem>>
      %dma_start3A_274 = tpu.memref_squeeze %dma_start3A_273 : memref<1x128x128xf32, #tpu.memory_space<vmem>> -> memref<128x128xf32, #tpu.memory_space<vmem>>
      %dma_start3A_275 = arith.constant 0 : i32
      %dma_start3A_276 = tpu.memref_slice %arg4[%add3A_268, %dma_start3A_275] : memref<204800x128xf32, #tpu.memory_space<hbm>> -> memref<128x128xf32, #tpu.memory_space<hbm>>
      %dma_start3A_277 = tpu.memref_slice %arg8[%dma_start3A_270] : memref<5x!tpu.dma_semaphore, #tpu.memory_space<semaphore_mem>> -> memref<1x!tpu.dma_semaphore, #tpu.memory_space<semaphore_mem>>
      %dma_start3A_278 = tpu.memref_squeeze %dma_start3A_277 : memref<1x!tpu.dma_semaphore, #tpu.memory_space<semaphore_mem>> -> memref<!tpu.dma_semaphore, #tpu.memory_space<semaphore_mem>>
      %dma_start3A_279 = arith.constant 0 : i32
      %dma_start3A_280 = tpu.memref_slice %arg4[%add3A_268, %dma_start3A_279] : memref<204800x128xf32, #tpu.memory_space<hbm>> -> memref<128x128xf32, #tpu.memory_space<hbm>>
      %dma_start3A_281 = arith.constant 0 : i32
      %dma_start3A_282 = arith.constant 0 : i32
      %dma_start3A_283 = tpu.memref_slice %arg6[%dma_start3A_269, %dma_start3A_281, %dma_start3A_282] : memref<5x128x128xf32, #tpu.memory_space<vmem>> -> memref<1x128x128xf32, #tpu.memory_space<vmem>>
      %dma_start3A_284 = tpu.memref_squeeze %dma_start3A_283 : memref<1x128x128xf32, #tpu.memory_space<vmem>> -> memref<128x128xf32, #tpu.memory_space<vmem>>
      tpu.enqueue_dma source(%dma_start3A_284 : memref<128x128xf32, #tpu.memory_space<vmem>>) target(%dma_start3A_280 : memref<128x128xf32, #tpu.memory_space<hbm>>) target_semaphore(%dma_start3A_278 : memref<!tpu.dma_semaphore, #tpu.memory_space<semaphore_mem>>)
      %add3A_285 = arith.constant 3 : i32
      %add3A_286 = arith.addi %mul3A_173, %add3A_285 : i32
      %dma_wait3A_287 = arith.constant 3 : i32
      %dma_wait3A_288 = arith.constant 3 : i32
      %dma_wait3A_289 = arith.constant 0 : i32
      %dma_wait3A_290 = arith.constant 0 : i32
      %dma_wait3A_291 = tpu.memref_slice %arg6[%dma_wait3A_287, %dma_wait3A_289, %dma_wait3A_290] : memref<5x128x128xf32, #tpu.memory_space<vmem>> -> memref<1x128x128xf32, #tpu.memory_space<vmem>>
      %dma_wait3A_292 = tpu.memref_squeeze %dma_wait3A_291 : memref<1x128x128xf32, #tpu.memory_space<vmem>> -> memref<128x128xf32, #tpu.memory_space<vmem>>
      %dma_wait3A_293 = arith.constant 0 : i32
      %dma_wait3A_294 = tpu.memref_slice %arg5[%add3A_286, %dma_wait3A_293] : memref<50x128xi32, #tpu.memory_space<vmem>> -> memref<1x128xi32, #tpu.memory_space<vmem>>
      %dma_wait3A_295 = tpu.memref_squeeze %dma_wait3A_294 : memref<1x128xi32, #tpu.memory_space<vmem>> -> memref<128xi32, #tpu.memory_space<vmem>>
      %dma_wait3A_296 = arith.constant 0 : i32
      %dma_wait3A_297 = arith.constant 0 : i32
      %dma_wait3A_298 = tpu.memref_slice %arg2[%dma_wait3A_296, %dma_wait3A_297] : memref<100000x128xf32, #tpu.memory_space<hbm>> -> memref<100000x128xf32, #tpu.memory_space<hbm>>
      %dma_wait3A_299 = tpu.memref_slice %arg7[%dma_wait3A_288] : memref<5x!tpu.dma_semaphore, #tpu.memory_space<semaphore_mem>> -> memref<1x!tpu.dma_semaphore, #tpu.memory_space<semaphore_mem>>
      %dma_wait3A_300 = tpu.memref_squeeze %dma_wait3A_299 : memref<1x!tpu.dma_semaphore, #tpu.memory_space<semaphore_mem>> -> memref<!tpu.dma_semaphore, #tpu.memory_space<semaphore_mem>>
      tpu.wait_indirect_dma semaphore(%dma_wait3A_300 : memref<!tpu.dma_semaphore, #tpu.memory_space<semaphore_mem>>) src(%dma_wait3A_298 : memref<100000x128xf32, #tpu.memory_space<hbm>>) dst(%dma_wait3A_292 : memref<128x128xf32, #tpu.memory_space<vmem>>)
      %add3A_301 = arith.constant 3 : i32
      %add3A_302 = arith.addi %mul3A_173, %add3A_301 : i32
      %mul3A_303 = arith.constant 128 : i32
      %mul3A_304 = arith.muli %add3A_302, %mul3A_303 : i32
      %add3A_305 = arith.addi %mul3A_2, %mul3A_304 : i32
      %dma_start3A_306 = arith.constant 3 : i32
      %dma_start3A_307 = arith.constant 3 : i32
      %dma_start3A_308 = arith.constant 0 : i32
      %dma_start3A_309 = arith.constant 0 : i32
      %dma_start3A_310 = tpu.memref_slice %arg6[%dma_start3A_306, %dma_start3A_308, %dma_start3A_309] : memref<5x128x128xf32, #tpu.memory_space<vmem>> -> memref<1x128x128xf32, #tpu.memory_space<vmem>>
      %dma_start3A_311 = tpu.memref_squeeze %dma_start3A_310 : memref<1x128x128xf32, #tpu.memory_space<vmem>> -> memref<128x128xf32, #tpu.memory_space<vmem>>
      %dma_start3A_312 = arith.constant 0 : i32
      %dma_start3A_313 = tpu.memref_slice %arg4[%add3A_305, %dma_start3A_312] : memref<204800x128xf32, #tpu.memory_space<hbm>> -> memref<128x128xf32, #tpu.memory_space<hbm>>
      %dma_start3A_314 = tpu.memref_slice %arg8[%dma_start3A_307] : memref<5x!tpu.dma_semaphore, #tpu.memory_space<semaphore_mem>> -> memref<1x!tpu.dma_semaphore, #tpu.memory_space<semaphore_mem>>
      %dma_start3A_315 = tpu.memref_squeeze %dma_start3A_314 : memref<1x!tpu.dma_semaphore, #tpu.memory_space<semaphore_mem>> -> memref<!tpu.dma_semaphore, #tpu.memory_space<semaphore_mem>>
      %dma_start3A_316 = arith.constant 0 : i32
      %dma_start3A_317 = tpu.memref_slice %arg4[%add3A_305, %dma_start3A_316] : memref<204800x128xf32, #tpu.memory_space<hbm>> -> memref<128x128xf32, #tpu.memory_space<hbm>>
      %dma_start3A_318 = arith.constant 0 : i32
      %dma_start3A_319 = arith.constant 0 : i32
      %dma_start3A_320 = tpu.memref_slice %arg6[%dma_start3A_306, %dma_start3A_318, %dma_start3A_319] : memref<5x128x128xf32, #tpu.memory_space<vmem>> -> memref<1x128x128xf32, #tpu.memory_space<vmem>>
      %dma_start3A_321 = tpu.memref_squeeze %dma_start3A_320 : memref<1x128x128xf32, #tpu.memory_space<vmem>> -> memref<128x128xf32, #tpu.memory_space<vmem>>
      tpu.enqueue_dma source(%dma_start3A_321 : memref<128x128xf32, #tpu.memory_space<vmem>>) target(%dma_start3A_317 : memref<128x128xf32, #tpu.memory_space<hbm>>) target_semaphore(%dma_start3A_315 : memref<!tpu.dma_semaphore, #tpu.memory_space<semaphore_mem>>)
      %add3A_322 = arith.constant 4 : i32
      %add3A_323 = arith.addi %mul3A_173, %add3A_322 : i32
      %dma_wait3A_324 = arith.constant 4 : i32
      %dma_wait3A_325 = arith.constant 4 : i32
      %dma_wait3A_326 = arith.constant 0 : i32
      %dma_wait3A_327 = arith.constant 0 : i32
      %dma_wait3A_328 = tpu.memref_slice %arg6[%dma_wait3A_324, %dma_wait3A_326, %dma_wait3A_327] : memref<5x128x128xf32, #tpu.memory_space<vmem>> -> memref<1x128x128xf32, #tpu.memory_space<vmem>>
      %dma_wait3A_329 = tpu.memref_squeeze %dma_wait3A_328 : memref<1x128x128xf32, #tpu.memory_space<vmem>> -> memref<128x128xf32, #tpu.memory_space<vmem>>
      %dma_wait3A_330 = arith.constant 0 : i32
      %dma_wait3A_331 = tpu.memref_slice %arg5[%add3A_323, %dma_wait3A_330] : memref<50x128xi32, #tpu.memory_space<vmem>> -> memref<1x128xi32, #tpu.memory_space<vmem>>
      %dma_wait3A_332 = tpu.memref_squeeze %dma_wait3A_331 : memref<1x128xi32, #tpu.memory_space<vmem>> -> memref<128xi32, #tpu.memory_space<vmem>>
      %dma_wait3A_333 = arith.constant 0 : i32
      %dma_wait3A_334 = arith.constant 0 : i32
      %dma_wait3A_335 = tpu.memref_slice %arg2[%dma_wait3A_333, %dma_wait3A_334] : memref<100000x128xf32, #tpu.memory_space<hbm>> -> memref<100000x128xf32, #tpu.memory_space<hbm>>
      %dma_wait3A_336 = tpu.memref_slice %arg7[%dma_wait3A_325] : memref<5x!tpu.dma_semaphore, #tpu.memory_space<semaphore_mem>> -> memref<1x!tpu.dma_semaphore, #tpu.memory_space<semaphore_mem>>
      %dma_wait3A_337 = tpu.memref_squeeze %dma_wait3A_336 : memref<1x!tpu.dma_semaphore, #tpu.memory_space<semaphore_mem>> -> memref<!tpu.dma_semaphore, #tpu.memory_space<semaphore_mem>>
      tpu.wait_indirect_dma semaphore(%dma_wait3A_337 : memref<!tpu.dma_semaphore, #tpu.memory_space<semaphore_mem>>) src(%dma_wait3A_335 : memref<100000x128xf32, #tpu.memory_space<hbm>>) dst(%dma_wait3A_329 : memref<128x128xf32, #tpu.memory_space<vmem>>)
      %add3A_338 = arith.constant 4 : i32
      %add3A_339 = arith.addi %mul3A_173, %add3A_338 : i32
      %mul3A_340 = arith.constant 128 : i32
      %mul3A_341 = arith.muli %add3A_339, %mul3A_340 : i32
      %add3A_342 = arith.addi %mul3A_2, %mul3A_341 : i32
      %dma_start3A_343 = arith.constant 4 : i32
      %dma_start3A_344 = arith.constant 4 : i32
      %dma_start3A_345 = arith.constant 0 : i32
      %dma_start3A_346 = arith.constant 0 : i32
      %dma_start3A_347 = tpu.memref_slice %arg6[%dma_start3A_343, %dma_start3A_345, %dma_start3A_346] : memref<5x128x128xf32, #tpu.memory_space<vmem>> -> memref<1x128x128xf32, #tpu.memory_space<vmem>>
      %dma_start3A_348 = tpu.memref_squeeze %dma_start3A_347 : memref<1x128x128xf32, #tpu.memory_space<vmem>> -> memref<128x128xf32, #tpu.memory_space<vmem>>
      %dma_start3A_349 = arith.constant 0 : i32
      %dma_start3A_350 = tpu.memref_slice %arg4[%add3A_342, %dma_start3A_349] : memref<204800x128xf32, #tpu.memory_space<hbm>> -> memref<128x128xf32, #tpu.memory_space<hbm>>
      %dma_start3A_351 = tpu.memref_slice %arg8[%dma_start3A_344] : memref<5x!tpu.dma_semaphore, #tpu.memory_space<semaphore_mem>> -> memref<1x!tpu.dma_semaphore, #tpu.memory_space<semaphore_mem>>
      %dma_start3A_352 = tpu.memref_squeeze %dma_start3A_351 : memref<1x!tpu.dma_semaphore, #tpu.memory_space<semaphore_mem>> -> memref<!tpu.dma_semaphore, #tpu.memory_space<semaphore_mem>>
      %dma_start3A_353 = arith.constant 0 : i32
      %dma_start3A_354 = tpu.memref_slice %arg4[%add3A_342, %dma_start3A_353] : memref<204800x128xf32, #tpu.memory_space<hbm>> -> memref<128x128xf32, #tpu.memory_space<hbm>>
      %dma_start3A_355 = arith.constant 0 : i32
      %dma_start3A_356 = arith.constant 0 : i32
      %dma_start3A_357 = tpu.memref_slice %arg6[%dma_start3A_343, %dma_start3A_355, %dma_start3A_356] : memref<5x128x128xf32, #tpu.memory_space<vmem>> -> memref<1x128x128xf32, #tpu.memory_space<vmem>>
      %dma_start3A_358 = tpu.memref_squeeze %dma_start3A_357 : memref<1x128x128xf32, #tpu.memory_space<vmem>> -> memref<128x128xf32, #tpu.memory_space<vmem>>
      tpu.enqueue_dma source(%dma_start3A_358 : memref<128x128xf32, #tpu.memory_space<vmem>>) target(%dma_start3A_354 : memref<128x128xf32, #tpu.memory_space<hbm>>) target_semaphore(%dma_start3A_352 : memref<!tpu.dma_semaphore, #tpu.memory_space<semaphore_mem>>)
      %add3A_359 = arith.constant 0 : i32
      %add3A_360 = arith.addi %mul3A_173, %add3A_359 : i32
      %add3A_361 = arith.constant 5 : i32
      %add3A_362 = arith.addi %add3A_360, %add3A_361 : i32
      %lt3A = arith.constant 50 : i32
      %lt3A_363 = arith.cmpi slt, %add3A_362, %lt3A : i32
      %convert_element_type3A = arith.extui %lt3A_363 : i1 to i32
      %cond3A = arith.constant 0 : i32
      %cond3A_364 = arith.cmpi ne, %convert_element_type3A, %cond3A : i32
      scf.if %cond3A_364 {
        %add3A_401 = arith.constant 0 : i32
        %add3A_402 = arith.addi %mul3A_173, %add3A_401 : i32
        %mul3A_403 = arith.constant 128 : i32
        %mul3A_404 = arith.muli %add3A_402, %mul3A_403 : i32
        %add3A_405 = arith.addi %mul3A_2, %mul3A_404 : i32
        %dma_wait3A_406 = arith.constant 0 : i32
        %dma_wait3A_407 = arith.constant 0 : i32
        %dma_wait3A_408 = arith.constant 0 : i32
        %dma_wait3A_409 = arith.constant 0 : i32
        %dma_wait3A_410 = tpu.memref_slice %arg6[%dma_wait3A_406, %dma_wait3A_408, %dma_wait3A_409] : memref<5x128x128xf32, #tpu.memory_space<vmem>> -> memref<1x128x128xf32, #tpu.memory_space<vmem>>
        %dma_wait3A_411 = tpu.memref_squeeze %dma_wait3A_410 : memref<1x128x128xf32, #tpu.memory_space<vmem>> -> memref<128x128xf32, #tpu.memory_space<vmem>>
        %dma_wait3A_412 = arith.constant 0 : i32
        %dma_wait3A_413 = tpu.memref_slice %arg4[%add3A_405, %dma_wait3A_412] : memref<204800x128xf32, #tpu.memory_space<hbm>> -> memref<128x128xf32, #tpu.memory_space<hbm>>
        %dma_wait3A_414 = tpu.memref_slice %arg8[%dma_wait3A_407] : memref<5x!tpu.dma_semaphore, #tpu.memory_space<semaphore_mem>> -> memref<1x!tpu.dma_semaphore, #tpu.memory_space<semaphore_mem>>
        %dma_wait3A_415 = tpu.memref_squeeze %dma_wait3A_414 : memref<1x!tpu.dma_semaphore, #tpu.memory_space<semaphore_mem>> -> memref<!tpu.dma_semaphore, #tpu.memory_space<semaphore_mem>>
        %dma_wait3A_416 = arith.constant 0 : i32
        %dma_wait3A_417 = tpu.memref_slice %arg4[%add3A_405, %dma_wait3A_416] : memref<204800x128xf32, #tpu.memory_space<hbm>> -> memref<128x128xf32, #tpu.memory_space<hbm>>
        %dma_wait3A_418 = arith.constant 0 : i32
        %dma_wait3A_419 = arith.constant 0 : i32
        %dma_wait3A_420 = tpu.memref_slice %arg6[%dma_wait3A_406, %dma_wait3A_418, %dma_wait3A_419] : memref<5x128x128xf32, #tpu.memory_space<vmem>> -> memref<1x128x128xf32, #tpu.memory_space<vmem>>
        %dma_wait3A_421 = tpu.memref_squeeze %dma_wait3A_420 : memref<1x128x128xf32, #tpu.memory_space<vmem>> -> memref<128x128xf32, #tpu.memory_space<vmem>>
        tpu.wait_dma2 semaphore(%dma_wait3A_415 : memref<!tpu.dma_semaphore, #tpu.memory_space<semaphore_mem>>) src(%dma_wait3A_421 : memref<128x128xf32, #tpu.memory_space<vmem>>) dst(%dma_wait3A_417 : memref<128x128xf32, #tpu.memory_space<hbm>>)
        %add3A_422 = arith.constant 0 : i32
        %add3A_423 = arith.addi %mul3A_173, %add3A_422 : i32
        %add3A_424 = arith.constant 5 : i32
        %add3A_425 = arith.addi %add3A_423, %add3A_424 : i32
        %dma_start3A_426 = arith.constant 0 : i32
        %dma_start3A_427 = arith.constant 0 : i32
        %dma_start3A_428 = arith.constant 0 : i32
        %dma_start3A_429 = arith.constant 0 : i32
        %dma_start3A_430 = tpu.memref_slice %arg6[%dma_start3A_426, %dma_start3A_428, %dma_start3A_429] : memref<5x128x128xf32, #tpu.memory_space<vmem>> -> memref<1x128x128xf32, #tpu.memory_space<vmem>>
        %dma_start3A_431 = tpu.memref_squeeze %dma_start3A_430 : memref<1x128x128xf32, #tpu.memory_space<vmem>> -> memref<128x128xf32, #tpu.memory_space<vmem>>
        %dma_start3A_432 = arith.constant 0 : i32
        %dma_start3A_433 = tpu.memref_slice %arg5[%add3A_425, %dma_start3A_432] : memref<50x128xi32, #tpu.memory_space<vmem>> -> memref<1x128xi32, #tpu.memory_space<vmem>>
        %dma_start3A_434 = tpu.memref_squeeze %dma_start3A_433 : memref<1x128xi32, #tpu.memory_space<vmem>> -> memref<128xi32, #tpu.memory_space<vmem>>
        %dma_start3A_435 = arith.constant 0 : i32
        %dma_start3A_436 = arith.constant 0 : i32
        %dma_start3A_437 = tpu.memref_slice %arg2[%dma_start3A_435, %dma_start3A_436] : memref<100000x128xf32, #tpu.memory_space<hbm>> -> memref<100000x128xf32, #tpu.memory_space<hbm>>
        %dma_start3A_438 = tpu.memref_slice %arg7[%dma_start3A_427] : memref<5x!tpu.dma_semaphore, #tpu.memory_space<semaphore_mem>> -> memref<1x!tpu.dma_semaphore, #tpu.memory_space<semaphore_mem>>
        %dma_start3A_439 = tpu.memref_squeeze %dma_start3A_438 : memref<1x!tpu.dma_semaphore, #tpu.memory_space<semaphore_mem>> -> memref<!tpu.dma_semaphore, #tpu.memory_space<semaphore_mem>>
        tpu.enqueue_indirect_dma source(%dma_start3A_437 : memref<100000x128xf32, #tpu.memory_space<hbm>>) target(%dma_start3A_431 : memref<128x128xf32, #tpu.memory_space<vmem>>) offsets(%dma_start3A_434 : memref<128xi32, #tpu.memory_space<vmem>>) semaphore(%dma_start3A_439 : memref<!tpu.dma_semaphore, #tpu.memory_space<semaphore_mem>>)
      } else {
      }
      %add3A_365 = arith.constant 1 : i32
      %add3A_366 = arith.addi %mul3A_173, %add3A_365 : i32
      %add3A_367 = arith.constant 5 : i32
      %add3A_368 = arith.addi %add3A_366, %add3A_367 : i32
      %lt3A_369 = arith.constant 50 : i32
      %lt3A_370 = arith.cmpi slt, %add3A_368, %lt3A_369 : i32
      %convert_element_type3A_371 = arith.extui %lt3A_370 : i1 to i32
      %cond3A_372 = arith.constant 0 : i32
      %cond3A_373 = arith.cmpi ne, %convert_element_type3A_371, %cond3A_372 : i32
      scf.if %cond3A_373 {
        %add3A_401 = arith.constant 1 : i32
        %add3A_402 = arith.addi %mul3A_173, %add3A_401 : i32
        %mul3A_403 = arith.constant 128 : i32
        %mul3A_404 = arith.muli %add3A_402, %mul3A_403 : i32
        %add3A_405 = arith.addi %mul3A_2, %mul3A_404 : i32
        %dma_wait3A_406 = arith.constant 1 : i32
        %dma_wait3A_407 = arith.constant 1 : i32
        %dma_wait3A_408 = arith.constant 0 : i32
        %dma_wait3A_409 = arith.constant 0 : i32
        %dma_wait3A_410 = tpu.memref_slice %arg6[%dma_wait3A_406, %dma_wait3A_408, %dma_wait3A_409] : memref<5x128x128xf32, #tpu.memory_space<vmem>> -> memref<1x128x128xf32, #tpu.memory_space<vmem>>
        %dma_wait3A_411 = tpu.memref_squeeze %dma_wait3A_410 : memref<1x128x128xf32, #tpu.memory_space<vmem>> -> memref<128x128xf32, #tpu.memory_space<vmem>>
        %dma_wait3A_412 = arith.constant 0 : i32
        %dma_wait3A_413 = tpu.memref_slice %arg4[%add3A_405, %dma_wait3A_412] : memref<204800x128xf32, #tpu.memory_space<hbm>> -> memref<128x128xf32, #tpu.memory_space<hbm>>
        %dma_wait3A_414 = tpu.memref_slice %arg8[%dma_wait3A_407] : memref<5x!tpu.dma_semaphore, #tpu.memory_space<semaphore_mem>> -> memref<1x!tpu.dma_semaphore, #tpu.memory_space<semaphore_mem>>
        %dma_wait3A_415 = tpu.memref_squeeze %dma_wait3A_414 : memref<1x!tpu.dma_semaphore, #tpu.memory_space<semaphore_mem>> -> memref<!tpu.dma_semaphore, #tpu.memory_space<semaphore_mem>>
        %dma_wait3A_416 = arith.constant 0 : i32
        %dma_wait3A_417 = tpu.memref_slice %arg4[%add3A_405, %dma_wait3A_416] : memref<204800x128xf32, #tpu.memory_space<hbm>> -> memref<128x128xf32, #tpu.memory_space<hbm>>
        %dma_wait3A_418 = arith.constant 0 : i32
        %dma_wait3A_419 = arith.constant 0 : i32
        %dma_wait3A_420 = tpu.memref_slice %arg6[%dma_wait3A_406, %dma_wait3A_418, %dma_wait3A_419] : memref<5x128x128xf32, #tpu.memory_space<vmem>> -> memref<1x128x128xf32, #tpu.memory_space<vmem>>
        %dma_wait3A_421 = tpu.memref_squeeze %dma_wait3A_420 : memref<1x128x128xf32, #tpu.memory_space<vmem>> -> memref<128x128xf32, #tpu.memory_space<vmem>>
        tpu.wait_dma2 semaphore(%dma_wait3A_415 : memref<!tpu.dma_semaphore, #tpu.memory_space<semaphore_mem>>) src(%dma_wait3A_421 : memref<128x128xf32, #tpu.memory_space<vmem>>) dst(%dma_wait3A_417 : memref<128x128xf32, #tpu.memory_space<hbm>>)
        %add3A_422 = arith.constant 1 : i32
        %add3A_423 = arith.addi %mul3A_173, %add3A_422 : i32
        %add3A_424 = arith.constant 5 : i32
        %add3A_425 = arith.addi %add3A_423, %add3A_424 : i32
        %dma_start3A_426 = arith.constant 1 : i32
        %dma_start3A_427 = arith.constant 1 : i32
        %dma_start3A_428 = arith.constant 0 : i32
        %dma_start3A_429 = arith.constant 0 : i32
        %dma_start3A_430 = tpu.memref_slice %arg6[%dma_start3A_426, %dma_start3A_428, %dma_start3A_429] : memref<5x128x128xf32, #tpu.memory_space<vmem>> -> memref<1x128x128xf32, #tpu.memory_space<vmem>>
        %dma_start3A_431 = tpu.memref_squeeze %dma_start3A_430 : memref<1x128x128xf32, #tpu.memory_space<vmem>> -> memref<128x128xf32, #tpu.memory_space<vmem>>
        %dma_start3A_432 = arith.constant 0 : i32
        %dma_start3A_433 = tpu.memref_slice %arg5[%add3A_425, %dma_start3A_432] : memref<50x128xi32, #tpu.memory_space<vmem>> -> memref<1x128xi32, #tpu.memory_space<vmem>>
        %dma_start3A_434 = tpu.memref_squeeze %dma_start3A_433 : memref<1x128xi32, #tpu.memory_space<vmem>> -> memref<128xi32, #tpu.memory_space<vmem>>
        %dma_start3A_435 = arith.constant 0 : i32
        %dma_start3A_436 = arith.constant 0 : i32
        %dma_start3A_437 = tpu.memref_slice %arg2[%dma_start3A_435, %dma_start3A_436] : memref<100000x128xf32, #tpu.memory_space<hbm>> -> memref<100000x128xf32, #tpu.memory_space<hbm>>
        %dma_start3A_438 = tpu.memref_slice %arg7[%dma_start3A_427] : memref<5x!tpu.dma_semaphore, #tpu.memory_space<semaphore_mem>> -> memref<1x!tpu.dma_semaphore, #tpu.memory_space<semaphore_mem>>
        %dma_start3A_439 = tpu.memref_squeeze %dma_start3A_438 : memref<1x!tpu.dma_semaphore, #tpu.memory_space<semaphore_mem>> -> memref<!tpu.dma_semaphore, #tpu.memory_space<semaphore_mem>>
        tpu.enqueue_indirect_dma source(%dma_start3A_437 : memref<100000x128xf32, #tpu.memory_space<hbm>>) target(%dma_start3A_431 : memref<128x128xf32, #tpu.memory_space<vmem>>) offsets(%dma_start3A_434 : memref<128xi32, #tpu.memory_space<vmem>>) semaphore(%dma_start3A_439 : memref<!tpu.dma_semaphore, #tpu.memory_space<semaphore_mem>>)
      } else {
      }
      %add3A_374 = arith.constant 2 : i32
      %add3A_375 = arith.addi %mul3A_173, %add3A_374 : i32
      %add3A_376 = arith.constant 5 : i32
      %add3A_377 = arith.addi %add3A_375, %add3A_376 : i32
      %lt3A_378 = arith.constant 50 : i32
      %lt3A_379 = arith.cmpi slt, %add3A_377, %lt3A_378 : i32
      %convert_element_type3A_380 = arith.extui %lt3A_379 : i1 to i32
      %cond3A_381 = arith.constant 0 : i32
      %cond3A_382 = arith.cmpi ne, %convert_element_type3A_380, %cond3A_381 : i32
      scf.if %cond3A_382 {
        %add3A_401 = arith.constant 2 : i32
        %add3A_402 = arith.addi %mul3A_173, %add3A_401 : i32
        %mul3A_403 = arith.constant 128 : i32
        %mul3A_404 = arith.muli %add3A_402, %mul3A_403 : i32
        %add3A_405 = arith.addi %mul3A_2, %mul3A_404 : i32
        %dma_wait3A_406 = arith.constant 2 : i32
        %dma_wait3A_407 = arith.constant 2 : i32
        %dma_wait3A_408 = arith.constant 0 : i32
        %dma_wait3A_409 = arith.constant 0 : i32
        %dma_wait3A_410 = tpu.memref_slice %arg6[%dma_wait3A_406, %dma_wait3A_408, %dma_wait3A_409] : memref<5x128x128xf32, #tpu.memory_space<vmem>> -> memref<1x128x128xf32, #tpu.memory_space<vmem>>
        %dma_wait3A_411 = tpu.memref_squeeze %dma_wait3A_410 : memref<1x128x128xf32, #tpu.memory_space<vmem>> -> memref<128x128xf32, #tpu.memory_space<vmem>>
        %dma_wait3A_412 = arith.constant 0 : i32
        %dma_wait3A_413 = tpu.memref_slice %arg4[%add3A_405, %dma_wait3A_412] : memref<204800x128xf32, #tpu.memory_space<hbm>> -> memref<128x128xf32, #tpu.memory_space<hbm>>
        %dma_wait3A_414 = tpu.memref_slice %arg8[%dma_wait3A_407] : memref<5x!tpu.dma_semaphore, #tpu.memory_space<semaphore_mem>> -> memref<1x!tpu.dma_semaphore, #tpu.memory_space<semaphore_mem>>
        %dma_wait3A_415 = tpu.memref_squeeze %dma_wait3A_414 : memref<1x!tpu.dma_semaphore, #tpu.memory_space<semaphore_mem>> -> memref<!tpu.dma_semaphore, #tpu.memory_space<semaphore_mem>>
        %dma_wait3A_416 = arith.constant 0 : i32
        %dma_wait3A_417 = tpu.memref_slice %arg4[%add3A_405, %dma_wait3A_416] : memref<204800x128xf32, #tpu.memory_space<hbm>> -> memref<128x128xf32, #tpu.memory_space<hbm>>
        %dma_wait3A_418 = arith.constant 0 : i32
        %dma_wait3A_419 = arith.constant 0 : i32
        %dma_wait3A_420 = tpu.memref_slice %arg6[%dma_wait3A_406, %dma_wait3A_418, %dma_wait3A_419] : memref<5x128x128xf32, #tpu.memory_space<vmem>> -> memref<1x128x128xf32, #tpu.memory_space<vmem>>
        %dma_wait3A_421 = tpu.memref_squeeze %dma_wait3A_420 : memref<1x128x128xf32, #tpu.memory_space<vmem>> -> memref<128x128xf32, #tpu.memory_space<vmem>>
        tpu.wait_dma2 semaphore(%dma_wait3A_415 : memref<!tpu.dma_semaphore, #tpu.memory_space<semaphore_mem>>) src(%dma_wait3A_421 : memref<128x128xf32, #tpu.memory_space<vmem>>) dst(%dma_wait3A_417 : memref<128x128xf32, #tpu.memory_space<hbm>>)
        %add3A_422 = arith.constant 2 : i32
        %add3A_423 = arith.addi %mul3A_173, %add3A_422 : i32
        %add3A_424 = arith.constant 5 : i32
        %add3A_425 = arith.addi %add3A_423, %add3A_424 : i32
        %dma_start3A_426 = arith.constant 2 : i32
        %dma_start3A_427 = arith.constant 2 : i32
        %dma_start3A_428 = arith.constant 0 : i32
        %dma_start3A_429 = arith.constant 0 : i32
        %dma_start3A_430 = tpu.memref_slice %arg6[%dma_start3A_426, %dma_start3A_428, %dma_start3A_429] : memref<5x128x128xf32, #tpu.memory_space<vmem>> -> memref<1x128x128xf32, #tpu.memory_space<vmem>>
        %dma_start3A_431 = tpu.memref_squeeze %dma_start3A_430 : memref<1x128x128xf32, #tpu.memory_space<vmem>> -> memref<128x128xf32, #tpu.memory_space<vmem>>
        %dma_start3A_432 = arith.constant 0 : i32
        %dma_start3A_433 = tpu.memref_slice %arg5[%add3A_425, %dma_start3A_432] : memref<50x128xi32, #tpu.memory_space<vmem>> -> memref<1x128xi32, #tpu.memory_space<vmem>>
        %dma_start3A_434 = tpu.memref_squeeze %dma_start3A_433 : memref<1x128xi32, #tpu.memory_space<vmem>> -> memref<128xi32, #tpu.memory_space<vmem>>
        %dma_start3A_435 = arith.constant 0 : i32
        %dma_start3A_436 = arith.constant 0 : i32
        %dma_start3A_437 = tpu.memref_slice %arg2[%dma_start3A_435, %dma_start3A_436] : memref<100000x128xf32, #tpu.memory_space<hbm>> -> memref<100000x128xf32, #tpu.memory_space<hbm>>
        %dma_start3A_438 = tpu.memref_slice %arg7[%dma_start3A_427] : memref<5x!tpu.dma_semaphore, #tpu.memory_space<semaphore_mem>> -> memref<1x!tpu.dma_semaphore, #tpu.memory_space<semaphore_mem>>
        %dma_start3A_439 = tpu.memref_squeeze %dma_start3A_438 : memref<1x!tpu.dma_semaphore, #tpu.memory_space<semaphore_mem>> -> memref<!tpu.dma_semaphore, #tpu.memory_space<semaphore_mem>>
        tpu.enqueue_indirect_dma source(%dma_start3A_437 : memref<100000x128xf32, #tpu.memory_space<hbm>>) target(%dma_start3A_431 : memref<128x128xf32, #tpu.memory_space<vmem>>) offsets(%dma_start3A_434 : memref<128xi32, #tpu.memory_space<vmem>>) semaphore(%dma_start3A_439 : memref<!tpu.dma_semaphore, #tpu.memory_space<semaphore_mem>>)
      } else {
      }
      %add3A_383 = arith.constant 3 : i32
      %add3A_384 = arith.addi %mul3A_173, %add3A_383 : i32
      %add3A_385 = arith.constant 5 : i32
      %add3A_386 = arith.addi %add3A_384, %add3A_385 : i32
      %lt3A_387 = arith.constant 50 : i32
      %lt3A_388 = arith.cmpi slt, %add3A_386, %lt3A_387 : i32
      %convert_element_type3A_389 = arith.extui %lt3A_388 : i1 to i32
      %cond3A_390 = arith.constant 0 : i32
      %cond3A_391 = arith.cmpi ne, %convert_element_type3A_389, %cond3A_390 : i32
      scf.if %cond3A_391 {
        %add3A_401 = arith.constant 3 : i32
        %add3A_402 = arith.addi %mul3A_173, %add3A_401 : i32
        %mul3A_403 = arith.constant 128 : i32
        %mul3A_404 = arith.muli %add3A_402, %mul3A_403 : i32
        %add3A_405 = arith.addi %mul3A_2, %mul3A_404 : i32
        %dma_wait3A_406 = arith.constant 3 : i32
        %dma_wait3A_407 = arith.constant 3 : i32
        %dma_wait3A_408 = arith.constant 0 : i32
        %dma_wait3A_409 = arith.constant 0 : i32
        %dma_wait3A_410 = tpu.memref_slice %arg6[%dma_wait3A_406, %dma_wait3A_408, %dma_wait3A_409] : memref<5x128x128xf32, #tpu.memory_space<vmem>> -> memref<1x128x128xf32, #tpu.memory_space<vmem>>
        %dma_wait3A_411 = tpu.memref_squeeze %dma_wait3A_410 : memref<1x128x128xf32, #tpu.memory_space<vmem>> -> memref<128x128xf32, #tpu.memory_space<vmem>>
        %dma_wait3A_412 = arith.constant 0 : i32
        %dma_wait3A_413 = tpu.memref_slice %arg4[%add3A_405, %dma_wait3A_412] : memref<204800x128xf32, #tpu.memory_space<hbm>> -> memref<128x128xf32, #tpu.memory_space<hbm>>
        %dma_wait3A_414 = tpu.memref_slice %arg8[%dma_wait3A_407] : memref<5x!tpu.dma_semaphore, #tpu.memory_space<semaphore_mem>> -> memref<1x!tpu.dma_semaphore, #tpu.memory_space<semaphore_mem>>
        %dma_wait3A_415 = tpu.memref_squeeze %dma_wait3A_414 : memref<1x!tpu.dma_semaphore, #tpu.memory_space<semaphore_mem>> -> memref<!tpu.dma_semaphore, #tpu.memory_space<semaphore_mem>>
        %dma_wait3A_416 = arith.constant 0 : i32
        %dma_wait3A_417 = tpu.memref_slice %arg4[%add3A_405, %dma_wait3A_416] : memref<204800x128xf32, #tpu.memory_space<hbm>> -> memref<128x128xf32, #tpu.memory_space<hbm>>
        %dma_wait3A_418 = arith.constant 0 : i32
        %dma_wait3A_419 = arith.constant 0 : i32
        %dma_wait3A_420 = tpu.memref_slice %arg6[%dma_wait3A_406, %dma_wait3A_418, %dma_wait3A_419] : memref<5x128x128xf32, #tpu.memory_space<vmem>> -> memref<1x128x128xf32, #tpu.memory_space<vmem>>
        %dma_wait3A_421 = tpu.memref_squeeze %dma_wait3A_420 : memref<1x128x128xf32, #tpu.memory_space<vmem>> -> memref<128x128xf32, #tpu.memory_space<vmem>>
        tpu.wait_dma2 semaphore(%dma_wait3A_415 : memref<!tpu.dma_semaphore, #tpu.memory_space<semaphore_mem>>) src(%dma_wait3A_421 : memref<128x128xf32, #tpu.memory_space<vmem>>) dst(%dma_wait3A_417 : memref<128x128xf32, #tpu.memory_space<hbm>>)
        %add3A_422 = arith.constant 3 : i32
        %add3A_423 = arith.addi %mul3A_173, %add3A_422 : i32
        %add3A_424 = arith.constant 5 : i32
        %add3A_425 = arith.addi %add3A_423, %add3A_424 : i32
        %dma_start3A_426 = arith.constant 3 : i32
        %dma_start3A_427 = arith.constant 3 : i32
        %dma_start3A_428 = arith.constant 0 : i32
        %dma_start3A_429 = arith.constant 0 : i32
        %dma_start3A_430 = tpu.memref_slice %arg6[%dma_start3A_426, %dma_start3A_428, %dma_start3A_429] : memref<5x128x128xf32, #tpu.memory_space<vmem>> -> memref<1x128x128xf32, #tpu.memory_space<vmem>>
        %dma_start3A_431 = tpu.memref_squeeze %dma_start3A_430 : memref<1x128x128xf32, #tpu.memory_space<vmem>> -> memref<128x128xf32, #tpu.memory_space<vmem>>
        %dma_start3A_432 = arith.constant 0 : i32
        %dma_start3A_433 = tpu.memref_slice %arg5[%add3A_425, %dma_start3A_432] : memref<50x128xi32, #tpu.memory_space<vmem>> -> memref<1x128xi32, #tpu.memory_space<vmem>>
        %dma_start3A_434 = tpu.memref_squeeze %dma_start3A_433 : memref<1x128xi32, #tpu.memory_space<vmem>> -> memref<128xi32, #tpu.memory_space<vmem>>
        %dma_start3A_435 = arith.constant 0 : i32
        %dma_start3A_436 = arith.constant 0 : i32
        %dma_start3A_437 = tpu.memref_slice %arg2[%dma_start3A_435, %dma_start3A_436] : memref<100000x128xf32, #tpu.memory_space<hbm>> -> memref<100000x128xf32, #tpu.memory_space<hbm>>
        %dma_start3A_438 = tpu.memref_slice %arg7[%dma_start3A_427] : memref<5x!tpu.dma_semaphore, #tpu.memory_space<semaphore_mem>> -> memref<1x!tpu.dma_semaphore, #tpu.memory_space<semaphore_mem>>
        %dma_start3A_439 = tpu.memref_squeeze %dma_start3A_438 : memref<1x!tpu.dma_semaphore, #tpu.memory_space<semaphore_mem>> -> memref<!tpu.dma_semaphore, #tpu.memory_space<semaphore_mem>>
        tpu.enqueue_indirect_dma source(%dma_start3A_437 : memref<100000x128xf32, #tpu.memory_space<hbm>>) target(%dma_start3A_431 : memref<128x128xf32, #tpu.memory_space<vmem>>) offsets(%dma_start3A_434 : memref<128xi32, #tpu.memory_space<vmem>>) semaphore(%dma_start3A_439 : memref<!tpu.dma_semaphore, #tpu.memory_space<semaphore_mem>>)
      } else {
      }
      %add3A_392 = arith.constant 4 : i32
      %add3A_393 = arith.addi %mul3A_173, %add3A_392 : i32
      %add3A_394 = arith.constant 5 : i32
      %add3A_395 = arith.addi %add3A_393, %add3A_394 : i32
      %lt3A_396 = arith.constant 50 : i32
      %lt3A_397 = arith.cmpi slt, %add3A_395, %lt3A_396 : i32
      %convert_element_type3A_398 = arith.extui %lt3A_397 : i1 to i32
      %cond3A_399 = arith.constant 0 : i32
      %cond3A_400 = arith.cmpi ne, %convert_element_type3A_398, %cond3A_399 : i32
      scf.if %cond3A_400 {
        %add3A_401 = arith.constant 4 : i32
        %add3A_402 = arith.addi %mul3A_173, %add3A_401 : i32
        %mul3A_403 = arith.constant 128 : i32
        %mul3A_404 = arith.muli %add3A_402, %mul3A_403 : i32
        %add3A_405 = arith.addi %mul3A_2, %mul3A_404 : i32
        %dma_wait3A_406 = arith.constant 4 : i32
        %dma_wait3A_407 = arith.constant 4 : i32
        %dma_wait3A_408 = arith.constant 0 : i32
        %dma_wait3A_409 = arith.constant 0 : i32
        %dma_wait3A_410 = tpu.memref_slice %arg6[%dma_wait3A_406, %dma_wait3A_408, %dma_wait3A_409] : memref<5x128x128xf32, #tpu.memory_space<vmem>> -> memref<1x128x128xf32, #tpu.memory_space<vmem>>
        %dma_wait3A_411 = tpu.memref_squeeze %dma_wait3A_410 : memref<1x128x128xf32, #tpu.memory_space<vmem>> -> memref<128x128xf32, #tpu.memory_space<vmem>>
        %dma_wait3A_412 = arith.constant 0 : i32
        %dma_wait3A_413 = tpu.memref_slice %arg4[%add3A_405, %dma_wait3A_412] : memref<204800x128xf32, #tpu.memory_space<hbm>> -> memref<128x128xf32, #tpu.memory_space<hbm>>
        %dma_wait3A_414 = tpu.memref_slice %arg8[%dma_wait3A_407] : memref<5x!tpu.dma_semaphore, #tpu.memory_space<semaphore_mem>> -> memref<1x!tpu.dma_semaphore, #tpu.memory_space<semaphore_mem>>
        %dma_wait3A_415 = tpu.memref_squeeze %dma_wait3A_414 : memref<1x!tpu.dma_semaphore, #tpu.memory_space<semaphore_mem>> -> memref<!tpu.dma_semaphore, #tpu.memory_space<semaphore_mem>>
        %dma_wait3A_416 = arith.constant 0 : i32
        %dma_wait3A_417 = tpu.memref_slice %arg4[%add3A_405, %dma_wait3A_416] : memref<204800x128xf32, #tpu.memory_space<hbm>> -> memref<128x128xf32, #tpu.memory_space<hbm>>
        %dma_wait3A_418 = arith.constant 0 : i32
        %dma_wait3A_419 = arith.constant 0 : i32
        %dma_wait3A_420 = tpu.memref_slice %arg6[%dma_wait3A_406, %dma_wait3A_418, %dma_wait3A_419] : memref<5x128x128xf32, #tpu.memory_space<vmem>> -> memref<1x128x128xf32, #tpu.memory_space<vmem>>
        %dma_wait3A_421 = tpu.memref_squeeze %dma_wait3A_420 : memref<1x128x128xf32, #tpu.memory_space<vmem>> -> memref<128x128xf32, #tpu.memory_space<vmem>>
        tpu.wait_dma2 semaphore(%dma_wait3A_415 : memref<!tpu.dma_semaphore, #tpu.memory_space<semaphore_mem>>) src(%dma_wait3A_421 : memref<128x128xf32, #tpu.memory_space<vmem>>) dst(%dma_wait3A_417 : memref<128x128xf32, #tpu.memory_space<hbm>>)
        %add3A_422 = arith.constant 4 : i32
        %add3A_423 = arith.addi %mul3A_173, %add3A_422 : i32
        %add3A_424 = arith.constant 5 : i32
        %add3A_425 = arith.addi %add3A_423, %add3A_424 : i32
        %dma_start3A_426 = arith.constant 4 : i32
        %dma_start3A_427 = arith.constant 4 : i32
        %dma_start3A_428 = arith.constant 0 : i32
        %dma_start3A_429 = arith.constant 0 : i32
        %dma_start3A_430 = tpu.memref_slice %arg6[%dma_start3A_426, %dma_start3A_428, %dma_start3A_429] : memref<5x128x128xf32, #tpu.memory_space<vmem>> -> memref<1x128x128xf32, #tpu.memory_space<vmem>>
        %dma_start3A_431 = tpu.memref_squeeze %dma_start3A_430 : memref<1x128x128xf32, #tpu.memory_space<vmem>> -> memref<128x128xf32, #tpu.memory_space<vmem>>
        %dma_start3A_432 = arith.constant 0 : i32
        %dma_start3A_433 = tpu.memref_slice %arg5[%add3A_425, %dma_start3A_432] : memref<50x128xi32, #tpu.memory_space<vmem>> -> memref<1x128xi32, #tpu.memory_space<vmem>>
        %dma_start3A_434 = tpu.memref_squeeze %dma_start3A_433 : memref<1x128xi32, #tpu.memory_space<vmem>> -> memref<128xi32, #tpu.memory_space<vmem>>
        %dma_start3A_435 = arith.constant 0 : i32
        %dma_start3A_436 = arith.constant 0 : i32
        %dma_start3A_437 = tpu.memref_slice %arg2[%dma_start3A_435, %dma_start3A_436] : memref<100000x128xf32, #tpu.memory_space<hbm>> -> memref<100000x128xf32, #tpu.memory_space<hbm>>
        %dma_start3A_438 = tpu.memref_slice %arg7[%dma_start3A_427] : memref<5x!tpu.dma_semaphore, #tpu.memory_space<semaphore_mem>> -> memref<1x!tpu.dma_semaphore, #tpu.memory_space<semaphore_mem>>
        %dma_start3A_439 = tpu.memref_squeeze %dma_start3A_438 : memref<1x!tpu.dma_semaphore, #tpu.memory_space<semaphore_mem>> -> memref<!tpu.dma_semaphore, #tpu.memory_space<semaphore_mem>>
        tpu.enqueue_indirect_dma source(%dma_start3A_437 : memref<100000x128xf32, #tpu.memory_space<hbm>>) target(%dma_start3A_431 : memref<128x128xf32, #tpu.memory_space<vmem>>) offsets(%dma_start3A_434 : memref<128xi32, #tpu.memory_space<vmem>>) semaphore(%dma_start3A_439 : memref<!tpu.dma_semaphore, #tpu.memory_space<semaphore_mem>>)
      } else {
      }
    }
    %scan3A_81 = arith.constant 10 : i32
    %add3A_82 = arith.constant 5760 : i32
    %add3A_83 = arith.addi %mul3A_2, %add3A_82 : i32
    %dma_wait3A = arith.constant 0 : i32
    %dma_wait3A_84 = arith.constant 0 : i32
    %dma_wait3A_85 = arith.constant 0 : i32
    %dma_wait3A_86 = arith.constant 0 : i32
    %dma_wait3A_87 = tpu.memref_slice %arg6[%dma_wait3A, %dma_wait3A_85, %dma_wait3A_86] : memref<5x128x128xf32, #tpu.memory_space<vmem>> -> memref<1x128x128xf32, #tpu.memory_space<vmem>>
    %dma_wait3A_88 = tpu.memref_squeeze %dma_wait3A_87 : memref<1x128x128xf32, #tpu.memory_space<vmem>> -> memref<128x128xf32, #tpu.memory_space<vmem>>
    %dma_wait3A_89 = arith.constant 0 : i32
    %dma_wait3A_90 = tpu.memref_slice %arg4[%add3A_83, %dma_wait3A_89] : memref<204800x128xf32, #tpu.memory_space<hbm>> -> memref<128x128xf32, #tpu.memory_space<hbm>>
    %dma_wait3A_91 = tpu.memref_slice %arg8[%dma_wait3A_84] : memref<5x!tpu.dma_semaphore, #tpu.memory_space<semaphore_mem>> -> memref<1x!tpu.dma_semaphore, #tpu.memory_space<semaphore_mem>>
    %dma_wait3A_92 = tpu.memref_squeeze %dma_wait3A_91 : memref<1x!tpu.dma_semaphore, #tpu.memory_space<semaphore_mem>> -> memref<!tpu.dma_semaphore, #tpu.memory_space<semaphore_mem>>
    %dma_wait3A_93 = arith.constant 0 : i32
    %dma_wait3A_94 = tpu.memref_slice %arg4[%add3A_83, %dma_wait3A_93] : memref<204800x128xf32, #tpu.memory_space<hbm>> -> memref<128x128xf32, #tpu.memory_space<hbm>>
    %dma_wait3A_95 = arith.constant 0 : i32
    %dma_wait3A_96 = arith.constant 0 : i32
    %dma_wait3A_97 = tpu.memref_slice %arg6[%dma_wait3A, %dma_wait3A_95, %dma_wait3A_96] : memref<5x128x128xf32, #tpu.memory_space<vmem>> -> memref<1x128x128xf32, #tpu.memory_space<vmem>>
    %dma_wait3A_98 = tpu.memref_squeeze %dma_wait3A_97 : memref<1x128x128xf32, #tpu.memory_space<vmem>> -> memref<128x128xf32, #tpu.memory_space<vmem>>
    tpu.wait_dma2 semaphore(%dma_wait3A_92 : memref<!tpu.dma_semaphore, #tpu.memory_space<semaphore_mem>>) src(%dma_wait3A_98 : memref<128x128xf32, #tpu.memory_space<vmem>>) dst(%dma_wait3A_94 : memref<128x128xf32, #tpu.memory_space<hbm>>)
    %add3A_99 = arith.constant 5888 : i32
    %add3A_100 = arith.addi %mul3A_2, %add3A_99 : i32
    %dma_wait3A_101 = arith.constant 1 : i32
    %dma_wait3A_102 = arith.constant 1 : i32
    %dma_wait3A_103 = arith.constant 0 : i32
    %dma_wait3A_104 = arith.constant 0 : i32
    %dma_wait3A_105 = tpu.memref_slice %arg6[%dma_wait3A_101, %dma_wait3A_103, %dma_wait3A_104] : memref<5x128x128xf32, #tpu.memory_space<vmem>> -> memref<1x128x128xf32, #tpu.memory_space<vmem>>
    %dma_wait3A_106 = tpu.memref_squeeze %dma_wait3A_105 : memref<1x128x128xf32, #tpu.memory_space<vmem>> -> memref<128x128xf32, #tpu.memory_space<vmem>>
    %dma_wait3A_107 = arith.constant 0 : i32
    %dma_wait3A_108 = tpu.memref_slice %arg4[%add3A_100, %dma_wait3A_107] : memref<204800x128xf32, #tpu.memory_space<hbm>> -> memref<128x128xf32, #tpu.memory_space<hbm>>
    %dma_wait3A_109 = tpu.memref_slice %arg8[%dma_wait3A_102] : memref<5x!tpu.dma_semaphore, #tpu.memory_space<semaphore_mem>> -> memref<1x!tpu.dma_semaphore, #tpu.memory_space<semaphore_mem>>
    %dma_wait3A_110 = tpu.memref_squeeze %dma_wait3A_109 : memref<1x!tpu.dma_semaphore, #tpu.memory_space<semaphore_mem>> -> memref<!tpu.dma_semaphore, #tpu.memory_space<semaphore_mem>>
    %dma_wait3A_111 = arith.constant 0 : i32
    %dma_wait3A_112 = tpu.memref_slice %arg4[%add3A_100, %dma_wait3A_111] : memref<204800x128xf32, #tpu.memory_space<hbm>> -> memref<128x128xf32, #tpu.memory_space<hbm>>
    %dma_wait3A_113 = arith.constant 0 : i32
    %dma_wait3A_114 = arith.constant 0 : i32
    %dma_wait3A_115 = tpu.memref_slice %arg6[%dma_wait3A_101, %dma_wait3A_113, %dma_wait3A_114] : memref<5x128x128xf32, #tpu.memory_space<vmem>> -> memref<1x128x128xf32, #tpu.memory_space<vmem>>
    %dma_wait3A_116 = tpu.memref_squeeze %dma_wait3A_115 : memref<1x128x128xf32, #tpu.memory_space<vmem>> -> memref<128x128xf32, #tpu.memory_space<vmem>>
    tpu.wait_dma2 semaphore(%dma_wait3A_110 : memref<!tpu.dma_semaphore, #tpu.memory_space<semaphore_mem>>) src(%dma_wait3A_116 : memref<128x128xf32, #tpu.memory_space<vmem>>) dst(%dma_wait3A_112 : memref<128x128xf32, #tpu.memory_space<hbm>>)
    %add3A_117 = arith.constant 6016 : i32
    %add3A_118 = arith.addi %mul3A_2, %add3A_117 : i32
    %dma_wait3A_119 = arith.constant 2 : i32
    %dma_wait3A_120 = arith.constant 2 : i32
    %dma_wait3A_121 = arith.constant 0 : i32
    %dma_wait3A_122 = arith.constant 0 : i32
    %dma_wait3A_123 = tpu.memref_slice %arg6[%dma_wait3A_119, %dma_wait3A_121, %dma_wait3A_122] : memref<5x128x128xf32, #tpu.memory_space<vmem>> -> memref<1x128x128xf32, #tpu.memory_space<vmem>>
    %dma_wait3A_124 = tpu.memref_squeeze %dma_wait3A_123 : memref<1x128x128xf32, #tpu.memory_space<vmem>> -> memref<128x128xf32, #tpu.memory_space<vmem>>
    %dma_wait3A_125 = arith.constant 0 : i32
    %dma_wait3A_126 = tpu.memref_slice %arg4[%add3A_118, %dma_wait3A_125] : memref<204800x128xf32, #tpu.memory_space<hbm>> -> memref<128x128xf32, #tpu.memory_space<hbm>>
    %dma_wait3A_127 = tpu.memref_slice %arg8[%dma_wait3A_120] : memref<5x!tpu.dma_semaphore, #tpu.memory_space<semaphore_mem>> -> memref<1x!tpu.dma_semaphore, #tpu.memory_space<semaphore_mem>>
    %dma_wait3A_128 = tpu.memref_squeeze %dma_wait3A_127 : memref<1x!tpu.dma_semaphore, #tpu.memory_space<semaphore_mem>> -> memref<!tpu.dma_semaphore, #tpu.memory_space<semaphore_mem>>
    %dma_wait3A_129 = arith.constant 0 : i32
    %dma_wait3A_130 = tpu.memref_slice %arg4[%add3A_118, %dma_wait3A_129] : memref<204800x128xf32, #tpu.memory_space<hbm>> -> memref<128x128xf32, #tpu.memory_space<hbm>>
    %dma_wait3A_131 = arith.constant 0 : i32
    %dma_wait3A_132 = arith.constant 0 : i32
    %dma_wait3A_133 = tpu.memref_slice %arg6[%dma_wait3A_119, %dma_wait3A_131, %dma_wait3A_132] : memref<5x128x128xf32, #tpu.memory_space<vmem>> -> memref<1x128x128xf32, #tpu.memory_space<vmem>>
    %dma_wait3A_134 = tpu.memref_squeeze %dma_wait3A_133 : memref<1x128x128xf32, #tpu.memory_space<vmem>> -> memref<128x128xf32, #tpu.memory_space<vmem>>
    tpu.wait_dma2 semaphore(%dma_wait3A_128 : memref<!tpu.dma_semaphore, #tpu.memory_space<semaphore_mem>>) src(%dma_wait3A_134 : memref<128x128xf32, #tpu.memory_space<vmem>>) dst(%dma_wait3A_130 : memref<128x128xf32, #tpu.memory_space<hbm>>)
    %add3A_135 = arith.constant 6144 : i32
    %add3A_136 = arith.addi %mul3A_2, %add3A_135 : i32
    %dma_wait3A_137 = arith.constant 3 : i32
    %dma_wait3A_138 = arith.constant 3 : i32
    %dma_wait3A_139 = arith.constant 0 : i32
    %dma_wait3A_140 = arith.constant 0 : i32
    %dma_wait3A_141 = tpu.memref_slice %arg6[%dma_wait3A_137, %dma_wait3A_139, %dma_wait3A_140] : memref<5x128x128xf32, #tpu.memory_space<vmem>> -> memref<1x128x128xf32, #tpu.memory_space<vmem>>
    %dma_wait3A_142 = tpu.memref_squeeze %dma_wait3A_141 : memref<1x128x128xf32, #tpu.memory_space<vmem>> -> memref<128x128xf32, #tpu.memory_space<vmem>>
    %dma_wait3A_143 = arith.constant 0 : i32
    %dma_wait3A_144 = tpu.memref_slice %arg4[%add3A_136, %dma_wait3A_143] : memref<204800x128xf32, #tpu.memory_space<hbm>> -> memref<128x128xf32, #tpu.memory_space<hbm>>
    %dma_wait3A_145 = tpu.memref_slice %arg8[%dma_wait3A_138] : memref<5x!tpu.dma_semaphore, #tpu.memory_space<semaphore_mem>> -> memref<1x!tpu.dma_semaphore, #tpu.memory_space<semaphore_mem>>
    %dma_wait3A_146 = tpu.memref_squeeze %dma_wait3A_145 : memref<1x!tpu.dma_semaphore, #tpu.memory_space<semaphore_mem>> -> memref<!tpu.dma_semaphore, #tpu.memory_space<semaphore_mem>>
    %dma_wait3A_147 = arith.constant 0 : i32
    %dma_wait3A_148 = tpu.memref_slice %arg4[%add3A_136, %dma_wait3A_147] : memref<204800x128xf32, #tpu.memory_space<hbm>> -> memref<128x128xf32, #tpu.memory_space<hbm>>
    %dma_wait3A_149 = arith.constant 0 : i32
    %dma_wait3A_150 = arith.constant 0 : i32
    %dma_wait3A_151 = tpu.memref_slice %arg6[%dma_wait3A_137, %dma_wait3A_149, %dma_wait3A_150] : memref<5x128x128xf32, #tpu.memory_space<vmem>> -> memref<1x128x128xf32, #tpu.memory_space<vmem>>
    %dma_wait3A_152 = tpu.memref_squeeze %dma_wait3A_151 : memref<1x128x128xf32, #tpu.memory_space<vmem>> -> memref<128x128xf32, #tpu.memory_space<vmem>>
    tpu.wait_dma2 semaphore(%dma_wait3A_146 : memref<!tpu.dma_semaphore, #tpu.memory_space<semaphore_mem>>) src(%dma_wait3A_152 : memref<128x128xf32, #tpu.memory_space<vmem>>) dst(%dma_wait3A_148 : memref<128x128xf32, #tpu.memory_space<hbm>>)
    %add3A_153 = arith.constant 6272 : i32
    %add3A_154 = arith.addi %mul3A_2, %add3A_153 : i32
    %dma_wait3A_155 = arith.constant 4 : i32
    %dma_wait3A_156 = arith.constant 4 : i32
    %dma_wait3A_157 = arith.constant 0 : i32
    %dma_wait3A_158 = arith.constant 0 : i32
    %dma_wait3A_159 = tpu.memref_slice %arg6[%dma_wait3A_155, %dma_wait3A_157, %dma_wait3A_158] : memref<5x128x128xf32, #tpu.memory_space<vmem>> -> memref<1x128x128xf32, #tpu.memory_space<vmem>>
    %dma_wait3A_160 = tpu.memref_squeeze %dma_wait3A_159 : memref<1x128x128xf32, #tpu.memory_space<vmem>> -> memref<128x128xf32, #tpu.memory_space<vmem>>
    %dma_wait3A_161 = arith.constant 0 : i32
    %dma_wait3A_162 = tpu.memref_slice %arg4[%add3A_154, %dma_wait3A_161] : memref<204800x128xf32, #tpu.memory_space<hbm>> -> memref<128x128xf32, #tpu.memory_space<hbm>>
    %dma_wait3A_163 = tpu.memref_slice %arg8[%dma_wait3A_156] : memref<5x!tpu.dma_semaphore, #tpu.memory_space<semaphore_mem>> -> memref<1x!tpu.dma_semaphore, #tpu.memory_space<semaphore_mem>>
    %dma_wait3A_164 = tpu.memref_squeeze %dma_wait3A_163 : memref<1x!tpu.dma_semaphore, #tpu.memory_space<semaphore_mem>> -> memref<!tpu.dma_semaphore, #tpu.memory_space<semaphore_mem>>
    %dma_wait3A_165 = arith.constant 0 : i32
    %dma_wait3A_166 = tpu.memref_slice %arg4[%add3A_154, %dma_wait3A_165] : memref<204800x128xf32, #tpu.memory_space<hbm>> -> memref<128x128xf32, #tpu.memory_space<hbm>>
    %dma_wait3A_167 = arith.constant 0 : i32
    %dma_wait3A_168 = arith.constant 0 : i32
    %dma_wait3A_169 = tpu.memref_slice %arg6[%dma_wait3A_155, %dma_wait3A_167, %dma_wait3A_168] : memref<5x128x128xf32, #tpu.memory_space<vmem>> -> memref<1x128x128xf32, #tpu.memory_space<vmem>>
    %dma_wait3A_170 = tpu.memref_squeeze %dma_wait3A_169 : memref<1x128x128xf32, #tpu.memory_space<vmem>> -> memref<128x128xf32, #tpu.memory_space<vmem>>
    tpu.wait_dma2 semaphore(%dma_wait3A_164 : memref<!tpu.dma_semaphore, #tpu.memory_space<semaphore_mem>>) src(%dma_wait3A_170 : memref<128x128xf32, #tpu.memory_space<vmem>>) dst(%dma_wait3A_166 : memref<128x128xf32, #tpu.memory_space<hbm>>)
    return
  }
}

</mosaic_0001>

<sc_bundles>
// kernel: kernel.3.cloned.1.call-start
scs
__scs_entry_jumppad:
0x0: {  	(pc) =	sbr.rel $0x88, $3  }
0x1: {  	(tag) =	ssettag $0x0;
	lr =	simm.s32 $0x1  }
0x2: {  	[smem:$0x3F9F] =	sst lr;
	_ =	strace $0xD0000000  }
0x3: {  	_ = 	snop  }
0x4: {  	_ = 	snop  }
0x5: {  	_ = 	snop  }
0x6: {  	_ = 	snop  }
0x7: {  	_ = 	snop  }
__scs_overlays_trampoline_lowered:
0x8: {  	[smem:$0x3FAE] =	sst s0  }
0x9: {  	[smem:$0x3FAF] =	sst s1  }
0xa: {  	[smem:$0x3FB0] =	sst s2  }
0xb: {  	[smem:$0x3FB1] =	sst s3  }
0xc: {  	[smem:$0x3FB2] =	sst s4  }
0xd: {  	[smem:$0x3FB3] =	sst s5  }
0xe: {  	[smem:$0x3FB4] =	sst s6  }
0xf: {  	[smem:$0x3FB5] =	sst s7  }
0x10: {  	[smem:$0x3FB6] =	sst s8  }
0x11: {  	[smem:$0x3FB7] =	sst s9;
	s0 =	simm.s32 @!p0 $0x0  }
0x12: {  	s1 =	sld [smem:$0x3F9D];
	s0 =	simm.s32 @p0 $0x1  }
0x13: {  	[smem:$0x3FB8] =	sst s0;
	s0 =	simm.s32 @!p1 $0x0  }
0x14: {  	s2 =	sld [smem:$0x3F9C];
	s0 =	simm.s32 @p1 $0x1  }
0x15: {  	[smem:$0x3FB9] =	sst s0;
	s0 =	simm.s32 @!p2 $0x0  }
0x16: {  	s3 =	sld [smem:$0x3FDB];
	s0 =	simm.s32 @p2 $0x1  }
0x17: {  	s4 =	simm.s32 $0x1BF5;
	[smem:$0x3FBB] =	sst s0  }
0x18: {  	s0 =	sld [smem:$0x3F9E];
	_ =	swait.ge [sflag:s4], $0x0  }
0x19: {  	s7 =	sld [smem:$0x3F9F]  }
0x1a: {  	s8 =	sadd.s32 $0xFFFFE003, lr  }
0x1b: {  	s9 =	sadd.s32 $0xFFFFFEF7, lr;
	s5 =	simm.s32 $0xFFFFFFFF;
	p2 =	slt.u32 s8, $0xFFFFF086  }
0x1c: {  	p1 =	slt.u32 s9, $0xF7A;
	s5 =	simm.s32 @!p2 $0x0  }
0x1d: {  	s5 =	simm.s32 @p1 $0x1;
	p0 =	seq.s32 s7, s2  }
0x1e: {  	s7 =	smul.u32 @!p0 $0xF7A, s2;
	p2 =	seq.s32 @!p0 s5, $0x0  }
0x1f: {  	s9 =	smul.u32 $0xF7A, s1;
	s8 =	simm.s32 @!p0 $0x1BF5;
	p2 =	por !p2, p0  }
0x20: {  	[sflag:s8] =	ssyncset.s32 @!p0 $0xFFFFF086;
	s6 =	sadd.s32 @!p0 s3, s7;
	s7 =	simm.s32 @!p0 $0x108  }
0x21: {  	s3 =	sadd.s32 s3, s9;
	s6 =	sadd.s32 @!p0 $0x88, s6;
	s7 =	simm.s32 @p2 $0x1082  }
0x22: {  	[simem:s7], [sflag:s8] =	dma.local @!p0 [hbm:s6], $0xF7A  }
0x23: {  	s9 =	sor.u32 $0xD0000000, s2;
	s6 =	simm.s32 $0x108;
	_ =	swait.ge @!p0 [sflag:s8], $0x0  }
0x24: {  	s3 =	sadd.s32 $0x88, s3;
	s6 =	simm.s32 @!p1 $0x1082;
	[sflag:s4] =	ssyncset.s32 $0xFFFFF086  }
0x25: {  	[simem:s6], [sflag:s4] =	dma.local [hbm:s3], $0xF7A  }
0x26: {  	[smem:$0x3F9F] =	sst s1;
	(tag) =	ssettag s2;
	_ =	strace s9  }
0x27: {  	s1 =	sld [smem:$0x3FAF]  }
0x28: {  	s2 =	sld [smem:$0x3FB0]  }
0x29: {  	s4 =	sld [smem:$0x3FB2]  }
0x2a: {  	p0 =	seq.s32 s5, $0x0;
	s5 =	sld [smem:$0x3FB3]  }
0x2b: {  	s6 =	sld [smem:$0x3FB4]  }
0x2c: {  	s7 =	sld [smem:$0x3FB5]  }
0x2d: {  	s3 =	simm.s32 $0x108;
	s8 =	sld [smem:$0x3FB6]  }
0x2e: {  	s3 =	simm.s32 @!p0 $0x1082;
	s9 =	sld [smem:$0x3FB7]  }
0x2f: {  	lr =	sadd.s32 s0, s3;
	s0 =	sld [smem:$0x3FAE]  }
0x30: {  	s3 =	sld [smem:$0x3FB1]  }
0x31: {  	[smem:$0x3FBA] =	sst s10  }
0x32: {  	s10 =	sld [smem:$0x3FB8];
	_ =	sdelay $0x3  }
0x33: {  	p0 =	seq.s32 s10, $0x1;
	s10 =	sld [smem:$0x3FBA];
	_ =	sdelay $0x3  }
0x34: {  	[smem:$0x3FBA] =	sst s10  }
0x35: {  	s10 =	sld [smem:$0x3FB9];
	_ =	sdelay $0x3  }
0x36: {  	p1 =	seq.s32 s10, $0x1;
	s10 =	sld [smem:$0x3FBA];
	_ =	sdelay $0x3  }
0x37: {  	[smem:$0x3FBA] =	sst s10  }
0x38: {  	s10 =	sld [smem:$0x3FBB]  }
0x39: {  	_ = 	snop;
	(pc) =	sbr.ind lr, $3  }
0x3a: {  	_ = 	snop  }
0x3b: {  	_ = 	snop  }
0x3c: {  	p2 =	seq.s32 s10, $0x1;
	s10 =	sld [smem:$0x3FBA]  }
0x3d: {  	_ =	shalt  }
0x3e: {  	_ =	shalt  }
0x3f: {  	_ =	shalt  }
0x40: {  	_ =	shalt  }
0x41: {  	_ =	shalt  }
0x42: {  	_ =	shalt  }
0x43: {  	_ =	shalt  }
0x44: {  	_ =	shalt  }
0x45: {  	_ =	shalt  }
0x46: {  	_ =	shalt  }
0x47: {  	_ =	shalt  }
0x48: {  	_ =	shalt  }
0x49: {  	_ =	shalt  }
0x4a: {  	_ =	shalt  }
0x4b: {  	_ =	shalt  }
0x4c: {  	_ =	shalt  }
0x4d: {  	_ =	shalt  }
0x4e: {  	_ =	shalt  }
0x4f: {  	_ =	shalt  }
0x50: {  	_ =	shalt  }
0x51: {  	_ =	shalt  }
0x52: {  	_ =	shalt  }
0x53: {  	_ =	shalt  }
0x54: {  	_ =	shalt  }
0x55: {  	_ =	shalt  }
0x56: {  	_ =	shalt  }
0x57: {  	_ =	shalt  }
0x58: {  	_ =	shalt  }
0x59: {  	_ =	shalt  }
0x5a: {  	_ =	shalt  }
0x5b: {  	_ =	shalt  }
0x5c: {  	_ =	shalt  }
0x5d: {  	_ =	shalt  }
0x5e: {  	_ =	shalt  }
0x5f: {  	_ =	shalt  }
0x60: {  	_ =	shalt  }
0x61: {  	_ =	shalt  }
0x62: {  	_ =	shalt  }
0x63: {  	_ =	shalt  }
0x64: {  	_ =	shalt  }
0x65: {  	_ =	shalt  }
0x66: {  	_ =	shalt  }
0x67: {  	_ =	shalt  }
0x68: {  	_ =	shalt  }
0x69: {  	_ =	shalt  }
0x6a: {  	_ =	shalt  }
0x6b: {  	_ =	shalt  }
0x6c: {  	_ =	shalt  }
0x6d: {  	_ =	shalt  }
0x6e: {  	_ =	shalt  }
0x6f: {  	_ =	shalt  }
0x70: {  	_ =	shalt  }
0x71: {  	_ =	shalt  }
0x72: {  	_ =	shalt  }
0x73: {  	_ =	shalt  }
0x74: {  	_ =	shalt  }
0x75: {  	_ =	shalt  }
0x76: {  	_ =	shalt  }
0x77: {  	_ =	shalt  }
0x78: {  	_ =	shalt  }
0x79: {  	_ =	shalt  }
0x7a: {  	_ =	shalt  }
0x7b: {  	_ =	shalt  }
0x7c: {  	_ =	shalt  }
0x7d: {  	_ =	shalt  }
0x7e: {  	_ =	shalt  }
0x7f: {  	_ =	shalt  }
0x80: {  	_ =	shalt  }
0x81: {  	_ =	shalt  }
0x82: {  	_ =	shalt  }
0x83: {  	_ =	shalt  }
0x84: {  	_ =	shalt  }
0x85: {  	_ =	shalt  }
0x86: {  	_ =	shalt  }
0x87: {  	_ =	shalt  }
.Lfunc_end0:
.L_simem_size_0:
called_computation_lowered:
.L_overlay_start_0:
0x88: {  	s2 =	sld [smem:$0x3FD9]  }
0x89: {  	s3 =	sld [smem:$0x3FFE];
	_ =	sdelay $0x1  }
0x8a: {  	s1 =	srdreg.scid  }
0x8b: {  	s0 =	sand.u32 $0x1, s1  }
0x8c: {  	s17 =	sshll.u32 s0, $0xA;
	s2 =	sadd.s32 s3, s2  }
0x8d: {  	s2 =	sadd.s32 s2, s17  }
0x8e: {  	[smem:$0x3FC6] =	sst s2  }
0x8f: {  	_ = 	snop  }
0x90: {  	s2 =	sld [smem:$0x3FC8]  }
0x91: {  	s18 =	sld [smem:$0x3FD0];
	(tm) =	ssettm $0x1  }
0x92: {  	s4 =	sld [smem:$0x3FFB];
	_ =	sdelay $0x3  }
0x93: {  	_ =	strace s4  }
0x94: {  	s4 =	sld [smem:$0x3FFC];
	_ =	sdelay $0x3  }
0x95: {  	_ =	strace s4  }
0x96: {  	s4 =	sld [smem:$0x3FFD];
	_ =	sdelay $0x3  }
0x97: {  	_ =	strace s4  }
0x98: {  	_ =	strace $0x8FFFFFFF  }
0x99: {  	s19 =	sld [smem:$0x3FDB];
	_ =	sdelay $0x1  }
0x9a: {  	s5 =	simm.s32 $_scs_section_size  }
0x9b: {  	s6 =	simm.s32 $_size__tile_overlayer_lowered;
	s7 =	simm.s32 $_tile_overlayer_lowered  }
0x9c: {  	s22 =	simm.s32 $0x1BFF;
	s21 =	sshll.u32 s7, $0x1;
	s4 =	sadd.s32 s5, s19  }
0x9d: {  	s8 =	simm.s32 $0x0;
	s20 =	sshll.u32 s6, $0x1;
	s6 =	sadd.s32 s21, s4  }
0x9e: {  	[timem:s8], [sflag:s22] =	dma.local [hbm:s6], s20  }
0x9f: {  	_ =	swait.ge [sflag:s22], s20  }
0xa0: {  	s5 =	ssub.s32 $0x0, s20;
	[sflag:s22] =	ssyncset.done $0x0  }
0xa1: {  	[sflag:s22] =	ssyncadd.s32 s5;
	_ =	sdelay $0x1  }
0xa2: {  	s23 =	simm.s32 $0x1B8B  }
0xa3: {  	_ =	swait.ge [sflag:s23], $0x1  }
0xa4: {  	[sflag:s23] =	ssyncset.done $0x0  }
0xa5: {  	s25 =	simm.s32 $0x1B8E;
	s24 =	sld [smem:$0x3FFE];
	[sflag:s23] =	ssyncadd.s32 $0xFFFFFFFF  }
0xa6: {  	s26 =	simm.s32 $execute0_lowered;
	[smem:$0x3FD2] =	sst s25  }
0xa7: {  	s6 =	sshll.u32 s26, $0x1;
	_ =	strace $0x80000046;
	[dreg:$0x1] =	wrdreg $0xFFFFFFFF  }
0xa8: {  	s28 =	simm.s32 $_size_execute0_lowered;
	s4 =	sadd.s32 s4, s6;
	[dreg:$0x0] =	wrdreg $0x0  }
0xa9: {  	s6 =	sshll.u32 s28, $0x1;
	[dreg:$0x2] =	wrdreg s4  }
0xaa: {  	[dreg:$0x3] =	wrdreg s6  }
0xab: {  	[dreg:$0x4] =	wrdreg $0xC0  }
0xac: {  	_ =	task [dreg:s8], $0x5FFFF  }
0xad: {  	[dreg:$0x1] =	wrdreg $0xFFFFFFFF  }
0xae: {  	[dreg:$0x0] =	wrdreg $0x60  }
0xaf: {  	[dreg:$0x2] =	wrdreg s2  }
0xb0: {  	[dreg:$0x3] =	wrdreg s24  }
0xb1: {  	[dreg:$0x4] =	wrdreg s18  }
0xb2: {  	[dreg:$0x5] =	wrdreg $0x9  }
0xb3: {  	_ =	task.clear_ibuf [dreg:s8], $0x6FFFF;
	_ =	strace $0x90000046  }
0xb4: {  	s29 =	simm.s32 $0x9;
	_ =	strace $0x80000048  }
0xb5: {  	_ =	swait.ge [sflag:s29], $0x1  }
0xb6: {  	[sflag:s29] =	ssyncadd.s32 $0xFFFFFFFF  }
0xb7: {  	_ =	strace $0x90000048  }
0xb8: {  	_ =	sfence  }
0xb9: {  	s30 =	sld [smem:$0x0];
	_ =	sdelay $0x2  }
0xba: {  	s31 =	sshll.u32 s1, $0xD;
	s1 =	sshrl.u32 s1, $0x2  }
0xbb: {  	s3 =	sand.u32 $0x4000, s31;
	s1 =	sadd.s32 s1, s30  }
0xbc: {  	s0 =	sor.u32 s3, s0;
	s1 =	sshll.u32 s1, $0x11  }
0xbd: {  	s0 =	sor.u32 s1, s0  }
0xbe: {  	s0 =	sadd.s32 $0x8F2B, s0  }
0xbf: {  	[sflag:s0] =	ssyncadd.remote.s32 $0x1  }
0xc0: {  	_ =	sfence.sel $0xFFFF  }
0xc1: {  	[dreg:$0x0] =	wrdreg $0xFFFFFFFF;
	(pc) =	sbr.abs _section_cstart, $3  }
0xc2: {  	[dreg:$0x1] =	wrdreg $0xFFFFFFFF  }
0xc3: {  	_ =	task.clear_ibuf [dreg:s8], $0x2FFFF;
	_ =	strace $0x9FFFFFFF  }
0xc4: {  	(tm) =	ssettm $0x7FFFFFFF  }
0xc5: {  	_ =	shalt  }
tec
execute0_lowered:
.L_overlay_start_1:
0x0: {  	(tag) =	ssettag $0x1  }
0x1: {  	s1 =	rddreg [dreg:$0x0]  }
0x2: {  	s2 =	srdreg.scid;
	s5 =	rddreg [dreg:$0x1]  }
0x3: {  	s0 =	stileid.u32;
	s6 =	rddreg [dreg:$0x2];
	s3 =	simm.s32 $0x0  }
0x4: {  	s11 =	simm.s32 $0x100;
	s12 =	simm.s32 $0x9C00;
	s13 =	simm.s32 $0x180  }
0x5: {  	s14 =	simm.s32 $0xDC00;
	s15 =	simm.s32 $0x200;
	s16 =	simm.s32 $0x11C00  }
0x6: {  	s17 =	simm.s32 $0x1;
	s18 =	simm.s32 $0x2;
	s19 =	simm.s32 $0x3  }
0x7: {  	s20 =	simm.s32 $0x4;
	s21 =	simm.s32 $0x5;
	s22 =	simm.s32 $0x6  }
0x8: {  	s23 =	simm.s32 $0x7;
	s24 =	simm.s32 $0x8;
	s25 =	simm.s32 $0x9  }
0x9: {  	s4 =	sand.u32 $0x1, s2;
	s30 =	sshll.u32 s0, $0x1;
	s8 =	smul.u32 $0x32000, s0  }
0xa: {  	s2 =	sor.u32 s4, s30;
	s9 =	ssub.s32 $0x2, s4;
	s4 =	smul.u32 $0x19000, s4  }
0xb: {  	s26 =	simm.s32 $0xA;
	[smem:$0x7FF] =	sst s3;
	s7 =	smul.u32 $0x380, s2  }
.Ltmp0:
0xc: {  	s28 =	simm.s32 $0x0;
	_ =	strace $0x80000047;
	(pc) =	sbr.rel .LBB2_1-.Ltmp0, $4  }
0xd: {  	s10 =	sshrl.u32 s9, $0x1;
	s6 =	sadd.s32 s8, s6;
	s8 =	simm.s32 $0x80  }
0xe: {  	s31 =	ssub.s32 s9, s10;
	s6 =	sadd.s32 s4, s6;
	s9 =	simm.s32 $0x1C00  }
0xf: {  	s10 =	simm.s32 $0x5C00;
	s5 =	sadd.s32 s7, s5;
	s6 =	sadd.s32 $0x2000, s6  }
0x10: {  	s7 =	simm.s32 $0xB;
	s4 =	sadd.s32 $0x400, s5;
	s5 =	smax.u32 s31, $0x1  }
.LBB2_4:
0x11: {  	_ =	swait.ge [sflag:s23], $0x4000  }
0x12: {  	[sflag:s23] =	ssyncset.done $0x0  }
0x13: {  	[sflag:s23] =	ssyncadd.s32 $0xFFFFC000  }
0x14: {  	_ =	swait.ge [sflag:s24], $0x4000  }
0x15: {  	[sflag:s24] =	ssyncset.done $0x0  }
0x16: {  	s28 =	sadd.s32 $0x1, s28;
	[sflag:s24] =	ssyncadd.s32 $0xFFFFC000  }
0x17: {  	p0 =	sne.s32 s28, s5;
	_ =	swait.ge [sflag:s25], $0x4000  }
.Ltmp1:
0x18: {  	[sflag:s25] =	ssyncset.done $0x0;
	(pc) =	sbr.rel @!p0 .LBB2_5-.Ltmp1, $4  }
0x19: {  	[sflag:s25] =	ssyncadd.s32 $0xFFFFC000  }
0x1a: {  	_ =	swait.ge [sflag:s26], $0x4000  }
0x1b: {  	[sflag:s26] =	ssyncset.done $0x0  }
0x1c: {  	[sflag:s26] =	ssyncadd.s32 $0xFFFFC000  }
.LBB2_1:
0x1d: {  	[tilespmem:s3], [sflag:$0xB] =	stream.linear.gather [hbm4b:s4+s3], $0x1900, $0x38;
	[tilespmem:$0x15C00] =	vst v63  }
0x1e: {  	_ =	swait.ge [sflag:s7], $0x1900  }
0x1f: {  	[sflag:s7] =	ssyncset.done $0x0  }
0x20: {  	[sflag:s7] =	ssyncadd.s32 $0xFFFFE700  }
0x21: {  	[tilespmem:s9], [sflag:$0x1] =	stream.indirect.gather [hbm4b:s1+s8], $0x80, s3, s8, $0xb8;
	[tilespmem:$0x15C00] =	vst v63  }
0x22: {  	_ = 	snop  }
0x23: {  	[tilespmem:s10], [sflag:$0x2] =	stream.indirect.gather [hbm4b:s1+s8], $0x80, s8, s8, $0xb8;
	[tilespmem:$0x15C00] =	vst v63  }
0x24: {  	_ = 	snop  }
0x25: {  	[tilespmem:s12], [sflag:$0x3] =	stream.indirect.gather [hbm4b:s1+s8], $0x80, s11, s8, $0xb8;
	[tilespmem:$0x15C00] =	vst v63  }
0x26: {  	_ = 	snop  }
0x27: {  	[tilespmem:s14], [sflag:$0x4] =	stream.indirect.gather [hbm4b:s1+s8], $0x80, s13, s8, $0xb8;
	[tilespmem:$0x15C00] =	vst v63  }
0x28: {  	s29 =	smov.u32 s6;
	s30 =	simm.s32 $0x0  }
0x29: {  	[tilespmem:s16], [sflag:$0x5] =	stream.indirect.gather [hbm4b:s1+s8], $0x80, s15, s8, $0xb8;
	[tilespmem:$0x15C00] =	vst v63  }
.LBB2_2:
0x2a: {  	_ =	swait.ge [sflag:s17], $0x4000  }
0x2b: {  	[sflag:s17] =	ssyncset.done $0x0  }
0x2c: {  	s31 =	sadd.s32 $0xFFFFE000, s29;
	[sflag:s17] =	ssyncadd.s32 $0xFFFFC000  }
0x2d: {  	[hbm4b:s31+s3] =	stream.linear.scatter [tilespmem:s9], [sflag:$0x6], $0x4000, $0x38;
	[tilespmem:$0x15C00] =	vst v63  }
0x2e: {  	_ =	swait.ge [sflag:s18], $0x4000  }
0x2f: {  	[sflag:s18] =	ssyncset.done $0x0  }
0x30: {  	s2 =	sadd.s32 $0xFFFFE800, s29;
	[sflag:s18] =	ssyncadd.s32 $0xFFFFC000  }
0x31: {  	[hbm4b:s2+s3] =	stream.linear.scatter [tilespmem:s10], [sflag:$0x7], $0x4000, $0x38;
	[tilespmem:$0x15C00] =	vst v63  }
0x32: {  	_ =	swait.ge [sflag:s19], $0x4000  }
0x33: {  	[sflag:s19] =	ssyncset.done $0x0  }
0x34: {  	s2 =	sadd.s32 $0xFFFFF000, s29;
	[sflag:s19] =	ssyncadd.s32 $0xFFFFC000  }
0x35: {  	[hbm4b:s2+s3] =	stream.linear.scatter [tilespmem:s12], [sflag:$0x8], $0x4000, $0x38;
	[tilespmem:$0x15C00] =	vst v63  }
0x36: {  	_ =	swait.ge [sflag:s20], $0x4000  }
0x37: {  	[sflag:s20] =	ssyncset.done $0x0  }
0x38: {  	s2 =	sadd.s32 $0xFFFFF800, s29;
	[sflag:s20] =	ssyncadd.s32 $0xFFFFC000  }
0x39: {  	[hbm4b:s2+s3] =	stream.linear.scatter [tilespmem:s14], [sflag:$0x9], $0x4000, $0x38;
	[tilespmem:$0x15C00] =	vst v63  }
0x3a: {  	_ =	swait.ge [sflag:s21], $0x4000  }
0x3b: {  	p0 =	seq.s32 s30, $0x5A00;
	[sflag:s21] =	ssyncset.done $0x0  }
.Ltmp2:
0x3c: {  	[sflag:s21] =	ssyncadd.s32 $0xFFFFC000;
	(pc) =	sbr.rel @p0 .LBB2_4-.Ltmp2, $4  }
0x3d: {  	[hbm4b:s29+s3] =	stream.linear.scatter [tilespmem:s16], [sflag:$0xA], $0x4000, $0x38;
	[tilespmem:$0x15C00] =	vst v63  }
0x3e: {  	_ =	swait.ge [sflag:s22], $0x4000  }
0x3f: {  	[sflag:s22] =	ssyncset.done $0x0  }
0x40: {  	[sflag:s22] =	ssyncadd.s32 $0xFFFFC000  }
0x41: {  	s31 =	sshra.s32 s30, $0x2  }
0x42: {  	s2 =	sadd.s32 $0x280, s31  }
0x43: {  	[tilespmem:s9], [sflag:$0x1] =	stream.indirect.gather [hbm4b:s1+s8], $0x80, s2, s8, $0xb8;
	[tilespmem:$0x15C00] =	vst v63  }
0x44: {  	_ =	swait.ge [sflag:s23], $0x4000  }
0x45: {  	[sflag:s23] =	ssyncset.done $0x0  }
0x46: {  	s2 =	sadd.s32 $0x300, s31;
	[sflag:s23] =	ssyncadd.s32 $0xFFFFC000  }
0x47: {  	[tilespmem:s10], [sflag:$0x2] =	stream.indirect.gather [hbm4b:s1+s8], $0x80, s2, s8, $0xb8;
	[tilespmem:$0x15C00] =	vst v63  }
0x48: {  	_ =	swait.ge [sflag:s24], $0x4000  }
0x49: {  	[sflag:s24] =	ssyncset.done $0x0  }
0x4a: {  	s2 =	sadd.s32 $0x380, s31;
	[sflag:s24] =	ssyncadd.s32 $0xFFFFC000  }
0x4b: {  	[tilespmem:s12], [sflag:$0x3] =	stream.indirect.gather [hbm4b:s1+s8], $0x80, s2, s8, $0xb8;
	[tilespmem:$0x15C00] =	vst v63  }
0x4c: {  	_ =	swait.ge [sflag:s25], $0x4000  }
0x4d: {  	[sflag:s25] =	ssyncset.done $0x0  }
0x4e: {  	s2 =	sadd.s32 $0x400, s31;
	[sflag:s25] =	ssyncadd.s32 $0xFFFFC000  }
0x4f: {  	[tilespmem:s14], [sflag:$0x4] =	stream.indirect.gather [hbm4b:s1+s8], $0x80, s2, s8, $0xb8;
	[tilespmem:$0x15C00] =	vst v63  }
.Ltmp3:
0x50: {  	_ = 	snop;
	(pc) =	sbr.rel .LBB2_2-.Ltmp3, $4  }
0x51: {  	_ =	swait.ge [sflag:s26], $0x4000  }
0x52: {  	s30 =	sadd.s32 $0xA00, s30;
	[sflag:s26] =	ssyncset.done $0x0  }
0x53: {  	s29 =	sadd.s32 $0x2800, s29;
	s31 =	sadd.s32 $0x480, s31;
	[sflag:s26] =	ssyncadd.s32 $0xFFFFC000  }
0x54: {  	[tilespmem:s16], [sflag:$0x5] =	stream.indirect.gather [hbm4b:s1+s8], $0x80, s31, s8, $0xb8;
	[tilespmem:$0x15C00] =	vst v63  }
.LBB2_5:
0x55: {  	_ =	sfence.sel $0x180000  }
0x56: {  	[bflag:$0x0] =	sbarrier.arrive $0xFFFF  }
0x57: {  	_ =	strace $0x90000047  }
0x58: {  	[bflag:$0x2] =	sbarrier.arrive $0xFFFF  }
0x59: {  	p0 =	sne.s32 s0, $0x0;
	s0 =	rddreg [dreg:$0x3]  }
0x5a: {  	s0 =	sadd.s32 @!p0 $0x100000, s0  }
0x5b: {  	[sflag:s0] =	ssyncadd.tile.s32 @!p0 $0x1;
	_ =	shalt  }
.Lfunc_end2:
_tile_overlayer_lowered:
.L_overlay_start_2:
0x5c: {  	(tag) =	ssettag $0x2  }
0x5d: {  	s0 =	rddreg [dreg:$0x0];
	s2 =	stileid.u32  }
0x5e: {  	s1 =	rddreg [dreg:$0x1];
	p0 =	sne.s32 s2, $0x0  }
0x5f: {  	s3 =	rddreg [dreg:$0x2];
	[bflag:$0x3] =	sbarrier.arrive $0xFFFF;
	s2 =	simm.s32 @!p0 $0x1C0B  }
0x60: {  	[timem:s3], [sflag:s2] =	dma.local @!p0 [hbm:s0], s1  }
0x61: {  	s0 =	simm.s32 @!p0 $0xB  }
0x62: {  	_ =	swait.ge @!p0 [sflag:s0], s1  }
0x63: {  	s1 =	ssub.s32 @!p0 $0x0, s1;
	[sflag:s0] =	ssyncset.done @!p0 $0x0  }
0x64: {  	[sflag:s0] =	ssyncadd.s32 @!p0 s1  }
0x65: {  	[bflag:$0x3] =	sbarrier.arrive $0xFFFF  }
0x66: {  	_ =	shalt  }

</sc_bundles>
